<compile_context>
chip_gen: v7x
topology: tpu7x:2x2x1
jax: 0.10.2.dev20260603
libtpu: 0.0.44.dev20260713+nightly
codegen_flags: <defaults>
</compile_context>

<pallas_src>
import jax
import jax.numpy as jnp
from jax import lax
from jax.experimental import pallas as pl
from jax.experimental.pallas import tpu as pltpu
from jax.experimental.pallas import tpu_sc as plsc

N = 10000
E = 320000
D = 128

NC = 2
NS = 16
NW = NC * NS
EPW = E // NW
K = 100
NCH = EPW // K
RPT = N // NS
ZCH = 100
NZ = RPT // ZCH

L = 16


def _hist_body(ei_hbm, out_hbm, dst_v, hist_v):
    c = lax.axis_index("c")
    s = lax.axis_index("s")
    w = c * NS + s
    pltpu.sync_copy(ei_hbm.at[1].at[pl.ds(w * EPW, EPW)], dst_v)

    def zero(i, _):
        hist_v[pl.ds(i * L, L)] = jnp.zeros((L,), jnp.float32)
        return 0

    lax.fori_loop(0, N // L, zero, 0)

    ones = jnp.ones((L,), jnp.float32)

    def body(i, _):
        idx = dst_v[pl.ds(i * L, L)]
        plsc.addupdate_scatter(hist_v, [idx], ones)
        return 0

    lax.fori_loop(0, EPW // L, body, 0, unroll=4)
    pltpu.sync_copy(hist_v, out_hbm.at[w])


def _agg_body(g_hbm, eir_hbm, out_hbm, src_v, dst_v, rows_v,
              acc_sh, sem0, sem1):
    c = lax.axis_index("c")
    s = lax.axis_index("s")
    w = c * NS + s
    pltpu.sync_copy(eir_hbm.at[0].at[pl.ds(w * NCH, NCH)], src_v)
    pltpu.sync_copy(eir_hbm.at[1].at[pl.ds(w * NCH, NCH)], dst_v)

    sems = (sem0, sem1)
    pltpu.async_copy(g_hbm.at[src_v.at[0]], rows_v.at[0], sems[0])

    def zrow(i, _):
        for j in range(D // L):
            rows_v[1, i, pl.ds(j * L, L)] = jnp.zeros((L,), jnp.float32)
        return 0

    lax.fori_loop(0, ZCH, zrow, 0)
    for j in range(NZ):
        pltpu.sync_copy(rows_v.at[1], acc_sh.at[pl.ds(s * RPT + j * ZCH, ZCH)])
    tail = RPT - NZ * ZCH
    pltpu.sync_copy(rows_v.at[1].at[pl.ds(0, tail)],
                    acc_sh.at[pl.ds(s * RPT + NZ * ZCH, tail)])
    pltpu.async_copy(g_hbm.at[src_v.at[1]], rows_v.at[1], sems[1])
    plsc.subcore_barrier()


    def body(t, _):
        j = t * 2
        for b in range(2):
            pltpu.make_async_copy(
                g_hbm.at[src_v.at[j + b]], rows_v.at[b], sems[b]).wait()
            pltpu.sync_copy(rows_v.at[b], acc_sh.at[dst_v.at[j + b]],
                            add=True)

            @pl.when(j + b + 2 < NCH)
            def _():
                pltpu.async_copy(g_hbm.at[src_v.at[j + b + 2]],
                                 rows_v.at[b], sems[b])
        return 0

    lax.fori_loop(0, NCH // 2, body, 0)
    plsc.subcore_barrier()

    sl = pl.ds(s * RPT, RPT)
    pltpu.sync_copy(acc_sh.at[sl], out_hbm.at[c].at[sl])


_sc_mesh = plsc.VectorSubcoreMesh(
    core_axis_name="c", subcore_axis_name="s", num_cores=NC, num_subcores=NS)

_sc_params = pltpu.CompilerParams(
    needs_layout_passes=False, use_tc_tiling_on_sc=False)

_hist = pl.kernel(
    _hist_body,
    out_type=jax.ShapeDtypeStruct((NW, N), jnp.float32),
    mesh=_sc_mesh,
    compiler_params=_sc_params,
    scratch_types=[
        pltpu.VMEM((EPW,), jnp.int32),
        pltpu.VMEM((N,), jnp.float32),
    ],
)

_agg = pl.kernel(
    _agg_body,
    out_type=jax.ShapeDtypeStruct((NC, N, D), jnp.float32),
    mesh=_sc_mesh,
    compiler_params=_sc_params,
    scratch_types=[
        pltpu.VMEM((NCH, K), jnp.int32),
        pltpu.VMEM((NCH, K), jnp.int32),
        pltpu.VMEM((2, K, D), jnp.float32),
        pltpu.VMEM_SHARED((N, D), jnp.float32),
        pltpu.SemaphoreType.DMA,
        pltpu.SemaphoreType.DMA,
    ],
)


R = 2000


def _dense1_body(x_ref, degp_ref, gam_ref, bet_ref, wc_ref, wl_ref, bl_ref,
                 g_ref, hl_ref):
    x = x_ref[...]
    mu = jnp.mean(x, axis=1, keepdims=True)
    xc = x - mu
    var = jnp.mean(xc * xc, axis=1, keepdims=True)
    h = (xc * lax.rsqrt(var + 1e-5) * gam_ref[...][None, :]
         + bet_ref[...][None, :])
    deg = jnp.sum(degp_ref[...], axis=1) + 1.0
    dinv = lax.rsqrt(deg)
    hc = jnp.dot(h, wc_ref[...], preferred_element_type=jnp.float32)
    g_ref[...] = hc * dinv[:, None]
    hl_ref[...] = (
        jnp.dot(h, wl_ref[...], preferred_element_type=jnp.float32)
        + bl_ref[...][None, :])


def _dense2_body(acc_ref, g_ref, hl_ref, degp_ref, bc_ref, wp_ref, bp_ref,
                 out_ref):
    deg = jnp.sum(degp_ref[...], axis=1) + 1.0
    dinv = lax.rsqrt(deg)
    a = acc_ref[0] + acc_ref[1] + g_ref[...]
    conv = a * dinv[:, None] + bc_ref[...][None, :]
    z = jnp.maximum(conv + hl_ref[...], 0.0)
    out_ref[...] = (
        jnp.dot(z, wp_ref[...], preferred_element_type=jnp.float32)
        + bp_ref[...][None, :])


_dense1 = pl.pallas_call(
    _dense1_body,
    grid=(N // R,),
    in_specs=[
        pl.BlockSpec((R, D), lambda i: (i, 0)),
        pl.BlockSpec((R, NW), lambda i: (i, 0)),
        pl.BlockSpec((D,), lambda i: (0,)),
        pl.BlockSpec((D,), lambda i: (0,)),
        pl.BlockSpec((D, D), lambda i: (0, 0)),
        pl.BlockSpec((D, D), lambda i: (0, 0)),
        pl.BlockSpec((D,), lambda i: (0,)),
    ],
    out_specs=[
        pl.BlockSpec((R, D), lambda i: (i, 0)),
        pl.BlockSpec((R, D), lambda i: (i, 0)),
    ],
    out_shape=[
        jax.ShapeDtypeStruct((N, D), jnp.float32),
        jax.ShapeDtypeStruct((N, D), jnp.float32),
    ],
)

_dense2 = pl.pallas_call(
    _dense2_body,
    grid=(N // R,),
    in_specs=[
        pl.BlockSpec((NC, R, D), lambda i: (0, i, 0)),
        pl.BlockSpec((R, D), lambda i: (i, 0)),
        pl.BlockSpec((R, D), lambda i: (i, 0)),
        pl.BlockSpec((R, NW), lambda i: (i, 0)),
        pl.BlockSpec((D,), lambda i: (0,)),
        pl.BlockSpec((D, D), lambda i: (0, 0)),
        pl.BlockSpec((D,), lambda i: (0,)),
    ],
    out_specs=pl.BlockSpec((R, D), lambda i: (i, 0)),
    out_shape=jax.ShapeDtypeStruct((N, D), jnp.float32),
)


@jax.jit
def kernel(x, edge_index, ln_gamma, ln_beta, W_conv, b_conv, W_lin, b_lin,
           W_pred, b_pred):
    eir = edge_index.reshape(2, E // K, K)
    degp = _hist(edge_index).T
    g, hl = _dense1(x, degp, ln_gamma, ln_beta, W_conv, W_lin, b_lin)
    acc = _agg(g, eir)
    return _dense2(acc, g, hl, degp, b_conv, W_pred, b_pred)

# --- scband reference (transcript-rebuilt; emitter-appended) ---
"""Pipeline reference for scband-gcn-68667937128872 (READ-ONLY COPY).

The authoritative reference and input builder live on the scoring server;
editing this copy changes nothing except your own understanding.
"""

import jax, jax.numpy as jnp
import numpy as np

N = 10000
E = 320000
D_IN = 128
D_H = 128
D_OUT = 128


def setup_inputs(seed: int = 0) -> dict:
    key = jax.random.key(seed)
    ks = jax.random.split(key, 10)
    x = jax.random.normal(ks[0], (N, D_IN), dtype=jnp.float32)
    edge_index = jax.random.randint(ks[1], (2, E), 0, N, dtype=jnp.int32)
    s_in = 1.0 / np.sqrt(D_IN)
    s_h = 1.0 / np.sqrt(D_H)
    ln_gamma = jnp.ones((D_IN,), dtype=jnp.float32)
    ln_beta = jnp.zeros((D_IN,), dtype=jnp.float32)
    W_conv = jax.random.normal(ks[2], (D_IN, D_H), dtype=jnp.float32) * s_in
    b_conv = jnp.zeros((D_H,), dtype=jnp.float32)
    W_lin = jax.random.normal(ks[3], (D_IN, D_H), dtype=jnp.float32) * s_in
    b_lin = jnp.zeros((D_H,), dtype=jnp.float32)
    W_pred = jax.random.normal(ks[4], (D_H, D_OUT), dtype=jnp.float32) * s_h
    b_pred = jnp.zeros((D_OUT,), dtype=jnp.float32)
    return {"x": x, "edge_index": edge_index, "ln_gamma": ln_gamma, "ln_beta": ln_beta,
            "W_conv": W_conv, "b_conv": b_conv, "W_lin": W_lin, "b_lin": b_lin,
            "W_pred": W_pred, "b_pred": b_pred}


def _layer_norm(x, gamma, beta, eps=1e-5):
    mu = jnp.mean(x, axis=-1, keepdims=True)
    var = jnp.mean((x - mu) ** 2, axis=-1, keepdims=True)
    return (x - mu) / jnp.sqrt(var + eps) * gamma + beta


def _gcn_conv(x, src, dst, W, b):
    # PyG GCNConv: add self-loops, symmetric normalization deg^-1/2 A_hat deg^-1/2, then linear
    n = x.shape[0]
    loop = jnp.arange(n, dtype=src.dtype)
    s2 = jnp.concatenate([src, loop])
    d2 = jnp.concatenate([dst, loop])
    h = x @ W
    deg = jnp.zeros((n,), dtype=x.dtype).at[d2].add(1.0)
    dinv = jnp.where(deg > 0, 1.0 / jnp.sqrt(deg), 0.0)
    norm = dinv[s2] * dinv[d2]
    msg = h[s2] * norm[:, None]
    out = jnp.zeros_like(h).at[d2].add(msg)
    return out + b


def reference(x, edge_index, ln_gamma, ln_beta, W_conv, b_conv, W_lin, b_lin, W_pred, b_pred):
    src = edge_index[0]
    dst = edge_index[1]
    # layer 0 (the only conv iterated over; convs[:-1] with num_layers=2)
    h = _layer_norm(x, ln_gamma, ln_beta)
    h = _gcn_conv(h, src, dst, W_conv, b_conv) + (h @ W_lin + b_lin)  # residual branch
    h = jax.nn.relu(h)
    # dropout p=0.0 -> identity; use_jk: x_final = 0 + h
    x_final = h
    return x_final @ W_pred + b_pred

if __name__ == "__main__":
    import jax
    _d = setup_inputs()
    print(jax.jit(kernel)(*tuple(_d.values())))

</pallas_src>

<mosaic_0001>
#map = affine_map<(d0, d1) -> (0, 0)>
#map1 = affine_map<(d0, d1) -> (0, 0, 0)>
module attributes {stable_mosaic.version = 14 : i64} {
  func.func @_agg_body(%arg0: i32, %arg1: i32, %arg2: memref<10000x128xf32, #tpu.memory_space<hbm>>, %arg3: memref<2x3200x100xi32, #tpu.memory_space<hbm>>, %arg4: memref<2x10000x128xf32, #tpu.memory_space<hbm>>, %arg5: memref<100x100xi32, #tpu.memory_space<vmem>>, %arg6: memref<100x100xi32, #tpu.memory_space<vmem>>, %arg7: memref<2x100x128xf32, #tpu.memory_space<vmem>>, %arg8: memref<10000x128xf32, #tpu.memory_space<vmem_shared>>, %arg9: memref<!tpu.dma_semaphore, #tpu.memory_space<semaphore_mem>>, %arg10: memref<!tpu.dma_semaphore, #tpu.memory_space<semaphore_mem>>) attributes {dimension_semantics = [#tpu.dimension_semantics<core_parallel>, #tpu.dimension_semantics<subcore_parallel>], iteration_bounds = array<i64: 2, 16>, scalar_prefetch = 0 : i64, scratch_operands = 6 : i64, tpu.core_type = #tpu.core_type<sc_vector_subcore>, window_params = [{transform_indices = #map}, {transform_indices = #map1}, {transform_indices = #map1}]} {
    %mul3A = arith.constant 16 : i32
    %mul3A_0 = arith.muli %arg0, %mul3A : i32
    %add3A = arith.addi %mul3A_0, %arg1 : i32
    %mul3A_1 = arith.constant 100 : i32
    %mul3A_2 = arith.muli %add3A, %mul3A_1 : i32
    %run_scoped3A = arith.constant 0 : i32
    "tpu.region"() ({
      %run_scoped3A_80 = tpu.sem_alloc : memref<!tpu.dma_semaphore, #tpu.memory_space<semaphore_mem>>
      %dma_start3A_81 = arith.constant 0 : i32
      %dma_start3A_82 = arith.constant 0 : i32
      %dma_start3A_83 = tpu.memref_slice %arg3[%run_scoped3A, %dma_start3A_81, %dma_start3A_82] : memref<2x3200x100xi32, #tpu.memory_space<hbm>> -> memref<1x3200x100xi32, #tpu.memory_space<hbm>>
      %dma_start3A_84 = tpu.memref_squeeze %dma_start3A_83 : memref<1x3200x100xi32, #tpu.memory_space<hbm>> -> memref<3200x100xi32, #tpu.memory_space<hbm>>
      %dma_start3A_85 = arith.constant 0 : i32
      %dma_start3A_86 = tpu.memref_slice %dma_start3A_84[%mul3A_2, %dma_start3A_85] : memref<3200x100xi32, #tpu.memory_space<hbm>> -> memref<100x100xi32, #tpu.memory_space<hbm>>
      %dma_start3A_87 = arith.constant 0 : i32
      %dma_start3A_88 = arith.constant 0 : i32
      %dma_start3A_89 = tpu.memref_slice %arg3[%run_scoped3A, %dma_start3A_87, %dma_start3A_88] : memref<2x3200x100xi32, #tpu.memory_space<hbm>> -> memref<1x3200x100xi32, #tpu.memory_space<hbm>>
      %dma_start3A_90 = tpu.memref_squeeze %dma_start3A_89 : memref<1x3200x100xi32, #tpu.memory_space<hbm>> -> memref<3200x100xi32, #tpu.memory_space<hbm>>
      %dma_start3A_91 = arith.constant 0 : i32
      %dma_start3A_92 = tpu.memref_slice %dma_start3A_90[%mul3A_2, %dma_start3A_91] : memref<3200x100xi32, #tpu.memory_space<hbm>> -> memref<100x100xi32, #tpu.memory_space<hbm>>
      tpu.enqueue_dma source(%dma_start3A_92 : memref<100x100xi32, #tpu.memory_space<hbm>>) target(%arg5 : memref<100x100xi32, #tpu.memory_space<vmem>>) target_semaphore(%run_scoped3A_80 : memref<!tpu.dma_semaphore, #tpu.memory_space<semaphore_mem>>)
      %dma_wait3A = arith.constant 0 : i32
      %dma_wait3A_93 = arith.constant 0 : i32
      %dma_wait3A_94 = tpu.memref_slice %arg3[%run_scoped3A, %dma_wait3A, %dma_wait3A_93] : memref<2x3200x100xi32, #tpu.memory_space<hbm>> -> memref<1x3200x100xi32, #tpu.memory_space<hbm>>
      %dma_wait3A_95 = tpu.memref_squeeze %dma_wait3A_94 : memref<1x3200x100xi32, #tpu.memory_space<hbm>> -> memref<3200x100xi32, #tpu.memory_space<hbm>>
      %dma_wait3A_96 = arith.constant 0 : i32
      %dma_wait3A_97 = tpu.memref_slice %dma_wait3A_95[%mul3A_2, %dma_wait3A_96] : memref<3200x100xi32, #tpu.memory_space<hbm>> -> memref<100x100xi32, #tpu.memory_space<hbm>>
      %dma_wait3A_98 = arith.constant 0 : i32
      %dma_wait3A_99 = arith.constant 0 : i32
      %dma_wait3A_100 = tpu.memref_slice %arg3[%run_scoped3A, %dma_wait3A_98, %dma_wait3A_99] : memref<2x3200x100xi32, #tpu.memory_space<hbm>> -> memref<1x3200x100xi32, #tpu.memory_space<hbm>>
      %dma_wait3A_101 = tpu.memref_squeeze %dma_wait3A_100 : memref<1x3200x100xi32, #tpu.memory_space<hbm>> -> memref<3200x100xi32, #tpu.memory_space<hbm>>
      %dma_wait3A_102 = arith.constant 0 : i32
      %dma_wait3A_103 = tpu.memref_slice %dma_wait3A_101[%mul3A_2, %dma_wait3A_102] : memref<3200x100xi32, #tpu.memory_space<hbm>> -> memref<100x100xi32, #tpu.memory_space<hbm>>
      tpu.wait_dma2 semaphore(%run_scoped3A_80 : memref<!tpu.dma_semaphore, #tpu.memory_space<semaphore_mem>>) src(%dma_wait3A_103 : memref<100x100xi32, #tpu.memory_space<hbm>>) dst(%arg5 : memref<100x100xi32, #tpu.memory_space<vmem>>)
      tpu.yield
    }) : () -> ()
    %mul3A_3 = arith.constant 100 : i32
    %mul3A_4 = arith.muli %add3A, %mul3A_3 : i32
    %run_scoped3A_5 = arith.constant 1 : i32
    "tpu.region"() ({
      %run_scoped3A_80 = tpu.sem_alloc : memref<!tpu.dma_semaphore, #tpu.memory_space<semaphore_mem>>
      %dma_start3A_81 = arith.constant 0 : i32
      %dma_start3A_82 = arith.constant 0 : i32
      %dma_start3A_83 = tpu.memref_slice %arg3[%run_scoped3A_5, %dma_start3A_81, %dma_start3A_82] : memref<2x3200x100xi32, #tpu.memory_space<hbm>> -> memref<1x3200x100xi32, #tpu.memory_space<hbm>>
      %dma_start3A_84 = tpu.memref_squeeze %dma_start3A_83 : memref<1x3200x100xi32, #tpu.memory_space<hbm>> -> memref<3200x100xi32, #tpu.memory_space<hbm>>
      %dma_start3A_85 = arith.constant 0 : i32
      %dma_start3A_86 = tpu.memref_slice %dma_start3A_84[%mul3A_4, %dma_start3A_85] : memref<3200x100xi32, #tpu.memory_space<hbm>> -> memref<100x100xi32, #tpu.memory_space<hbm>>
      %dma_start3A_87 = arith.constant 0 : i32
      %dma_start3A_88 = arith.constant 0 : i32
      %dma_start3A_89 = tpu.memref_slice %arg3[%run_scoped3A_5, %dma_start3A_87, %dma_start3A_88] : memref<2x3200x100xi32, #tpu.memory_space<hbm>> -> memref<1x3200x100xi32, #tpu.memory_space<hbm>>
      %dma_start3A_90 = tpu.memref_squeeze %dma_start3A_89 : memref<1x3200x100xi32, #tpu.memory_space<hbm>> -> memref<3200x100xi32, #tpu.memory_space<hbm>>
      %dma_start3A_91 = arith.constant 0 : i32
      %dma_start3A_92 = tpu.memref_slice %dma_start3A_90[%mul3A_4, %dma_start3A_91] : memref<3200x100xi32, #tpu.memory_space<hbm>> -> memref<100x100xi32, #tpu.memory_space<hbm>>
      tpu.enqueue_dma source(%dma_start3A_92 : memref<100x100xi32, #tpu.memory_space<hbm>>) target(%arg6 : memref<100x100xi32, #tpu.memory_space<vmem>>) target_semaphore(%run_scoped3A_80 : memref<!tpu.dma_semaphore, #tpu.memory_space<semaphore_mem>>)
      %dma_wait3A = arith.constant 0 : i32
      %dma_wait3A_93 = arith.constant 0 : i32
      %dma_wait3A_94 = tpu.memref_slice %arg3[%run_scoped3A_5, %dma_wait3A, %dma_wait3A_93] : memref<2x3200x100xi32, #tpu.memory_space<hbm>> -> memref<1x3200x100xi32, #tpu.memory_space<hbm>>
      %dma_wait3A_95 = tpu.memref_squeeze %dma_wait3A_94 : memref<1x3200x100xi32, #tpu.memory_space<hbm>> -> memref<3200x100xi32, #tpu.memory_space<hbm>>
      %dma_wait3A_96 = arith.constant 0 : i32
      %dma_wait3A_97 = tpu.memref_slice %dma_wait3A_95[%mul3A_4, %dma_wait3A_96] : memref<3200x100xi32, #tpu.memory_space<hbm>> -> memref<100x100xi32, #tpu.memory_space<hbm>>
      %dma_wait3A_98 = arith.constant 0 : i32
      %dma_wait3A_99 = arith.constant 0 : i32
      %dma_wait3A_100 = tpu.memref_slice %arg3[%run_scoped3A_5, %dma_wait3A_98, %dma_wait3A_99] : memref<2x3200x100xi32, #tpu.memory_space<hbm>> -> memref<1x3200x100xi32, #tpu.memory_space<hbm>>
      %dma_wait3A_101 = tpu.memref_squeeze %dma_wait3A_100 : memref<1x3200x100xi32, #tpu.memory_space<hbm>> -> memref<3200x100xi32, #tpu.memory_space<hbm>>
      %dma_wait3A_102 = arith.constant 0 : i32
      %dma_wait3A_103 = tpu.memref_slice %dma_wait3A_101[%mul3A_4, %dma_wait3A_102] : memref<3200x100xi32, #tpu.memory_space<hbm>> -> memref<100x100xi32, #tpu.memory_space<hbm>>
      tpu.wait_dma2 semaphore(%run_scoped3A_80 : memref<!tpu.dma_semaphore, #tpu.memory_space<semaphore_mem>>) src(%dma_wait3A_103 : memref<100x100xi32, #tpu.memory_space<hbm>>) dst(%arg6 : memref<100x100xi32, #tpu.memory_space<vmem>>)
      tpu.yield
    }) : () -> ()
    %dma_start3A = arith.constant 0 : i32
    %dma_start3A_6 = arith.constant 0 : i32
    %dma_start3A_7 = arith.constant 0 : i32
    %dma_start3A_8 = arith.constant 0 : i32
    %dma_start3A_9 = tpu.memref_slice %arg7[%dma_start3A_6, %dma_start3A_7, %dma_start3A_8] : memref<2x100x128xf32, #tpu.memory_space<vmem>> -> memref<1x100x128xf32, #tpu.memory_space<vmem>>
    %dma_start3A_10 = tpu.memref_squeeze %dma_start3A_9 : memref<1x100x128xf32, #tpu.memory_space<vmem>> -> memref<100x128xf32, #tpu.memory_space<vmem>>
    %dma_start3A_11 = arith.constant 0 : i32
    %dma_start3A_12 = tpu.memref_slice %arg5[%dma_start3A, %dma_start3A_11] : memref<100x100xi32, #tpu.memory_space<vmem>> -> memref<1x100xi32, #tpu.memory_space<vmem>>
    %dma_start3A_13 = tpu.memref_squeeze %dma_start3A_12 : memref<1x100xi32, #tpu.memory_space<vmem>> -> memref<100xi32, #tpu.memory_space<vmem>>
    %dma_start3A_14 = arith.constant 0 : i32
    %dma_start3A_15 = arith.constant 0 : i32
    %dma_start3A_16 = tpu.memref_slice %arg2[%dma_start3A_14, %dma_start3A_15] : memref<10000x128xf32, #tpu.memory_space<hbm>> -> memref<10000x128xf32, #tpu.memory_space<hbm>>
    tpu.enqueue_indirect_dma source(%dma_start3A_16 : memref<10000x128xf32, #tpu.memory_space<hbm>>) target(%dma_start3A_10 : memref<100x128xf32, #tpu.memory_space<vmem>>) offsets(%dma_start3A_13 : memref<100xi32, #tpu.memory_space<vmem>>) semaphore(%arg9 : memref<!tpu.dma_semaphore, #tpu.memory_space<semaphore_mem>>)
    %scan3A = arith.constant 0 : i32
    %scan3A_17 = arith.constant 0 : i32
    %scan3A_18 = arith.constant 100 : i32
    %scan3A_19 = arith.addi %scan3A_17, %scan3A_18 : i32
    %scan3A_20 = arith.constant 1 : i32
    %scan3A_21 = scf.for %scan3A_80 = %scan3A_17 to %scan3A_19 step %scan3A_20 iter_args(%scan3A_81 = %scan3A) -> (i32)  : i32 {
      %broadcast_in_dim3A = arith.constant 0.000000e+00 : f32
      %broadcast_in_dim3A_82 = vector.broadcast %broadcast_in_dim3A : f32 to vector<16xf32>
      %swap3A = arith.constant 1 : i32
      %swap3A_83 = arith.index_cast %swap3A : i32 to index
      %swap3A_84 = arith.index_cast %scan3A_80 : i32 to index
      %swap3A_85 = arith.constant 0 : index
      %swap3A_86 = tpu.vector_load %arg7[%swap3A_83, %swap3A_84, %swap3A_85] {strides = array<i32>} : memref<2x100x128xf32, #tpu.memory_space<vmem>>, vector<16xf32>,
      tpu.vector_store %arg7[%swap3A_83, %swap3A_84, %swap3A_85], %broadcast_in_dim3A_82 {strides = array<i32>} : memref<2x100x128xf32, #tpu.memory_space<vmem>>, vector<16xf32>,
      %broadcast_in_dim3A_87 = arith.constant 0.000000e+00 : f32
      %broadcast_in_dim3A_88 = vector.broadcast %broadcast_in_dim3A_87 : f32 to vector<16xf32>
      %swap3A_89 = arith.constant 1 : i32
      %swap3A_90 = arith.index_cast %swap3A_89 : i32 to index
      %swap3A_91 = arith.index_cast %scan3A_80 : i32 to index
      %swap3A_92 = arith.constant 16 : index
      %swap3A_93 = tpu.vector_load %arg7[%swap3A_90, %swap3A_91, %swap3A_92] {strides = array<i32>} : memref<2x100x128xf32, #tpu.memory_space<vmem>>, vector<16xf32>,
      tpu.vector_store %arg7[%swap3A_90, %swap3A_91, %swap3A_92], %broadcast_in_dim3A_88 {strides = array<i32>} : memref<2x100x128xf32, #tpu.memory_space<vmem>>, vector<16xf32>,
      %broadcast_in_dim3A_94 = arith.constant 0.000000e+00 : f32
      %broadcast_in_dim3A_95 = vector.broadcast %broadcast_in_dim3A_94 : f32 to vector<16xf32>
      %swap3A_96 = arith.constant 1 : i32
      %swap3A_97 = arith.index_cast %swap3A_96 : i32 to index
      %swap3A_98 = arith.index_cast %scan3A_80 : i32 to index
      %swap3A_99 = arith.constant 32 : index
      %swap3A_100 = tpu.vector_load %arg7[%swap3A_97, %swap3A_98, %swap3A_99] {strides = array<i32>} : memref<2x100x128xf32, #tpu.memory_space<vmem>>, vector<16xf32>,
      tpu.vector_store %arg7[%swap3A_97, %swap3A_98, %swap3A_99], %broadcast_in_dim3A_95 {strides = array<i32>} : memref<2x100x128xf32, #tpu.memory_space<vmem>>, vector<16xf32>,
      %broadcast_in_dim3A_101 = arith.constant 0.000000e+00 : f32
      %broadcast_in_dim3A_102 = vector.broadcast %broadcast_in_dim3A_101 : f32 to vector<16xf32>
      %swap3A_103 = arith.constant 1 : i32
      %swap3A_104 = arith.index_cast %swap3A_103 : i32 to index
      %swap3A_105 = arith.index_cast %scan3A_80 : i32 to index
      %swap3A_106 = arith.constant 48 : index
      %swap3A_107 = tpu.vector_load %arg7[%swap3A_104, %swap3A_105, %swap3A_106] {strides = array<i32>} : memref<2x100x128xf32, #tpu.memory_space<vmem>>, vector<16xf32>,
      tpu.vector_store %arg7[%swap3A_104, %swap3A_105, %swap3A_106], %broadcast_in_dim3A_102 {strides = array<i32>} : memref<2x100x128xf32, #tpu.memory_space<vmem>>, vector<16xf32>,
      %broadcast_in_dim3A_108 = arith.constant 0.000000e+00 : f32
      %broadcast_in_dim3A_109 = vector.broadcast %broadcast_in_dim3A_108 : f32 to vector<16xf32>
      %swap3A_110 = arith.constant 1 : i32
      %swap3A_111 = arith.index_cast %swap3A_110 : i32 to index
      %swap3A_112 = arith.index_cast %scan3A_80 : i32 to index
      %swap3A_113 = arith.constant 64 : index
      %swap3A_114 = tpu.vector_load %arg7[%swap3A_111, %swap3A_112, %swap3A_113] {strides = array<i32>} : memref<2x100x128xf32, #tpu.memory_space<vmem>>, vector<16xf32>,
      tpu.vector_store %arg7[%swap3A_111, %swap3A_112, %swap3A_113], %broadcast_in_dim3A_109 {strides = array<i32>} : memref<2x100x128xf32, #tpu.memory_space<vmem>>, vector<16xf32>,
      %broadcast_in_dim3A_115 = arith.constant 0.000000e+00 : f32
      %broadcast_in_dim3A_116 = vector.broadcast %broadcast_in_dim3A_115 : f32 to vector<16xf32>
      %swap3A_117 = arith.constant 1 : i32
      %swap3A_118 = arith.index_cast %swap3A_117 : i32 to index
      %swap3A_119 = arith.index_cast %scan3A_80 : i32 to index
      %swap3A_120 = arith.constant 80 : index
      %swap3A_121 = tpu.vector_load %arg7[%swap3A_118, %swap3A_119, %swap3A_120] {strides = array<i32>} : memref<2x100x128xf32, #tpu.memory_space<vmem>>, vector<16xf32>,
      tpu.vector_store %arg7[%swap3A_118, %swap3A_119, %swap3A_120], %broadcast_in_dim3A_116 {strides = array<i32>} : memref<2x100x128xf32, #tpu.memory_space<vmem>>, vector<16xf32>,
      %broadcast_in_dim3A_122 = arith.constant 0.000000e+00 : f32
      %broadcast_in_dim3A_123 = vector.broadcast %broadcast_in_dim3A_122 : f32 to vector<16xf32>
      %swap3A_124 = arith.constant 1 : i32
      %swap3A_125 = arith.index_cast %swap3A_124 : i32 to index
      %swap3A_126 = arith.index_cast %scan3A_80 : i32 to index
      %swap3A_127 = arith.constant 96 : index
      %swap3A_128 = tpu.vector_load %arg7[%swap3A_125, %swap3A_126, %swap3A_127] {strides = array<i32>} : memref<2x100x128xf32, #tpu.memory_space<vmem>>, vector<16xf32>,
      tpu.vector_store %arg7[%swap3A_125, %swap3A_126, %swap3A_127], %broadcast_in_dim3A_123 {strides = array<i32>} : memref<2x100x128xf32, #tpu.memory_space<vmem>>, vector<16xf32>,
      %broadcast_in_dim3A_129 = arith.constant 0.000000e+00 : f32
      %broadcast_in_dim3A_130 = vector.broadcast %broadcast_in_dim3A_129 : f32 to vector<16xf32>
      %swap3A_131 = arith.constant 1 : i32
      %swap3A_132 = arith.index_cast %swap3A_131 : i32 to index
      %swap3A_133 = arith.index_cast %scan3A_80 : i32 to index
      %swap3A_134 = arith.constant 112 : index
      %swap3A_135 = tpu.vector_load %arg7[%swap3A_132, %swap3A_133, %swap3A_134] {strides = array<i32>} : memref<2x100x128xf32, #tpu.memory_space<vmem>>, vector<16xf32>,
      tpu.vector_store %arg7[%swap3A_132, %swap3A_133, %swap3A_134], %broadcast_in_dim3A_130 {strides = array<i32>} : memref<2x100x128xf32, #tpu.memory_space<vmem>>, vector<16xf32>,
      %scan3A_136 = arith.constant 0 : i32
      scf.yield %scan3A_136 : i32
    }
    %scan3A_22 = arith.constant 100 : i32
    %mul3A_23 = arith.constant 625 : i32
    %mul3A_24 = arith.muli %arg1, %mul3A_23 : i32
    %add3A_25 = arith.constant 0 : i32
    %add3A_26 = arith.addi %mul3A_24, %add3A_25 : i32
    %run_scoped3A_27 = arith.constant 1 : i32
    "tpu.region"() ({
      %run_scoped3A_80 = tpu.sem_alloc : memref<!tpu.dma_semaphore, #tpu.memory_space<semaphore_mem>>
      %dma_start3A_81 = arith.constant 0 : i32
      %dma_start3A_82 = arith.constant 0 : i32
      %dma_start3A_83 = tpu.memref_slice %arg7[%run_scoped3A_27, %dma_start3A_81, %dma_start3A_82] : memref<2x100x128xf32, #tpu.memory_space<vmem>> -> memref<1x100x128xf32, #tpu.memory_space<vmem>>
      %dma_start3A_84 = tpu.memref_squeeze %dma_start3A_83 : memref<1x100x128xf32, #tpu.memory_space<vmem>> -> memref<100x128xf32, #tpu.memory_space<vmem>>
      %dma_start3A_85 = arith.constant 0 : i32
      %dma_start3A_86 = tpu.memref_slice %arg8[%add3A_26, %dma_start3A_85] : memref<10000x128xf32, #tpu.memory_space<vmem_shared>> -> memref<100x128xf32, #tpu.memory_space<vmem_shared>>
      %dma_start3A_87 = arith.constant 0 : i32
      %dma_start3A_88 = tpu.memref_slice %arg8[%add3A_26, %dma_start3A_87] : memref<10000x128xf32, #tpu.memory_space<vmem_shared>> -> memref<100x128xf32, #tpu.memory_space<vmem_shared>>
      %dma_start3A_89 = arith.constant 0 : i32
      %dma_start3A_90 = arith.constant 0 : i32
      %dma_start3A_91 = tpu.memref_slice %arg7[%run_scoped3A_27, %dma_start3A_89, %dma_start3A_90] : memref<2x100x128xf32, #tpu.memory_space<vmem>> -> memref<1x100x128xf32, #tpu.memory_space<vmem>>
      %dma_start3A_92 = tpu.memref_squeeze %dma_start3A_91 : memref<1x100x128xf32, #tpu.memory_space<vmem>> -> memref<100x128xf32, #tpu.memory_space<vmem>>
      tpu.enqueue_dma source(%dma_start3A_92 : memref<100x128xf32, #tpu.memory_space<vmem>>) target(%dma_start3A_88 : memref<100x128xf32, #tpu.memory_space<vmem_shared>>) target_semaphore(%run_scoped3A_80 : memref<!tpu.dma_semaphore, #tpu.memory_space<semaphore_mem>>)
      %dma_wait3A = arith.constant 0 : i32
      %dma_wait3A_93 = arith.constant 0 : i32
      %dma_wait3A_94 = tpu.memref_slice %arg7[%run_scoped3A_27, %dma_wait3A, %dma_wait3A_93] : memref<2x100x128xf32, #tpu.memory_space<vmem>> -> memref<1x100x128xf32, #tpu.memory_space<vmem>>
      %dma_wait3A_95 = tpu.memref_squeeze %dma_wait3A_94 : memref<1x100x128xf32, #tpu.memory_space<vmem>> -> memref<100x128xf32, #tpu.memory_space<vmem>>
      %dma_wait3A_96 = arith.constant 0 : i32
      %dma_wait3A_97 = tpu.memref_slice %arg8[%add3A_26, %dma_wait3A_96] : memref<10000x128xf32, #tpu.memory_space<vmem_shared>> -> memref<100x128xf32, #tpu.memory_space<vmem_shared>>
      %dma_wait3A_98 = arith.constant 0 : i32
      %dma_wait3A_99 = tpu.memref_slice %arg8[%add3A_26, %dma_wait3A_98] : memref<10000x128xf32, #tpu.memory_space<vmem_shared>> -> memref<100x128xf32, #tpu.memory_space<vmem_shared>>
      %dma_wait3A_100 = arith.constant 0 : i32
      %dma_wait3A_101 = arith.constant 0 : i32
      %dma_wait3A_102 = tpu.memref_slice %arg7[%run_scoped3A_27, %dma_wait3A_100, %dma_wait3A_101] : memref<2x100x128xf32, #tpu.memory_space<vmem>> -> memref<1x100x128xf32, #tpu.memory_space<vmem>>
      %dma_wait3A_103 = tpu.memref_squeeze %dma_wait3A_102 : memref<1x100x128xf32, #tpu.memory_space<vmem>> -> memref<100x128xf32, #tpu.memory_space<vmem>>
      tpu.wait_dma2 semaphore(%run_scoped3A_80 : memref<!tpu.dma_semaphore, #tpu.memory_space<semaphore_mem>>) src(%dma_wait3A_103 : memref<100x128xf32, #tpu.memory_space<vmem>>) dst(%dma_wait3A_99 : memref<100x128xf32, #tpu.memory_space<vmem_shared>>)
      tpu.yield
    }) : () -> ()
    %mul3A_28 = arith.constant 625 : i32
    %mul3A_29 = arith.muli %arg1, %mul3A_28 : i32
    %add3A_30 = arith.constant 100 : i32
    %add3A_31 = arith.addi %mul3A_29, %add3A_30 : i32
    %run_scoped3A_32 = arith.constant 1 : i32
    "tpu.region"() ({
      %run_scoped3A_80 = tpu.sem_alloc : memref<!tpu.dma_semaphore, #tpu.memory_space<semaphore_mem>>
      %dma_start3A_81 = arith.constant 0 : i32
      %dma_start3A_82 = arith.constant 0 : i32
      %dma_start3A_83 = tpu.memref_slice %arg7[%run_scoped3A_32, %dma_start3A_81, %dma_start3A_82] : memref<2x100x128xf32, #tpu.memory_space<vmem>> -> memref<1x100x128xf32, #tpu.memory_space<vmem>>
      %dma_start3A_84 = tpu.memref_squeeze %dma_start3A_83 : memref<1x100x128xf32, #tpu.memory_space<vmem>> -> memref<100x128xf32, #tpu.memory_space<vmem>>
      %dma_start3A_85 = arith.constant 0 : i32
      %dma_start3A_86 = tpu.memref_slice %arg8[%add3A_31, %dma_start3A_85] : memref<10000x128xf32, #tpu.memory_space<vmem_shared>> -> memref<100x128xf32, #tpu.memory_space<vmem_shared>>
      %dma_start3A_87 = arith.constant 0 : i32
      %dma_start3A_88 = tpu.memref_slice %arg8[%add3A_31, %dma_start3A_87] : memref<10000x128xf32, #tpu.memory_space<vmem_shared>> -> memref<100x128xf32, #tpu.memory_space<vmem_shared>>
      %dma_start3A_89 = arith.constant 0 : i32
      %dma_start3A_90 = arith.constant 0 : i32
      %dma_start3A_91 = tpu.memref_slice %arg7[%run_scoped3A_32, %dma_start3A_89, %dma_start3A_90] : memref<2x100x128xf32, #tpu.memory_space<vmem>> -> memref<1x100x128xf32, #tpu.memory_space<vmem>>
      %dma_start3A_92 = tpu.memref_squeeze %dma_start3A_91 : memref<1x100x128xf32, #tpu.memory_space<vmem>> -> memref<100x128xf32, #tpu.memory_space<vmem>>
      tpu.enqueue_dma source(%dma_start3A_92 : memref<100x128xf32, #tpu.memory_space<vmem>>) target(%dma_start3A_88 : memref<100x128xf32, #tpu.memory_space<vmem_shared>>) target_semaphore(%run_scoped3A_80 : memref<!tpu.dma_semaphore, #tpu.memory_space<semaphore_mem>>)
      %dma_wait3A = arith.constant 0 : i32
      %dma_wait3A_93 = arith.constant 0 : i32
      %dma_wait3A_94 = tpu.memref_slice %arg7[%run_scoped3A_32, %dma_wait3A, %dma_wait3A_93] : memref<2x100x128xf32, #tpu.memory_space<vmem>> -> memref<1x100x128xf32, #tpu.memory_space<vmem>>
      %dma_wait3A_95 = tpu.memref_squeeze %dma_wait3A_94 : memref<1x100x128xf32, #tpu.memory_space<vmem>> -> memref<100x128xf32, #tpu.memory_space<vmem>>
      %dma_wait3A_96 = arith.constant 0 : i32
      %dma_wait3A_97 = tpu.memref_slice %arg8[%add3A_31, %dma_wait3A_96] : memref<10000x128xf32, #tpu.memory_space<vmem_shared>> -> memref<100x128xf32, #tpu.memory_space<vmem_shared>>
      %dma_wait3A_98 = arith.constant 0 : i32
      %dma_wait3A_99 = tpu.memref_slice %arg8[%add3A_31, %dma_wait3A_98] : memref<10000x128xf32, #tpu.memory_space<vmem_shared>> -> memref<100x128xf32, #tpu.memory_space<vmem_shared>>
      %dma_wait3A_100 = arith.constant 0 : i32
      %dma_wait3A_101 = arith.constant 0 : i32
      %dma_wait3A_102 = tpu.memref_slice %arg7[%run_scoped3A_32, %dma_wait3A_100, %dma_wait3A_101] : memref<2x100x128xf32, #tpu.memory_space<vmem>> -> memref<1x100x128xf32, #tpu.memory_space<vmem>>
      %dma_wait3A_103 = tpu.memref_squeeze %dma_wait3A_102 : memref<1x100x128xf32, #tpu.memory_space<vmem>> -> memref<100x128xf32, #tpu.memory_space<vmem>>
      tpu.wait_dma2 semaphore(%run_scoped3A_80 : memref<!tpu.dma_semaphore, #tpu.memory_space<semaphore_mem>>) src(%dma_wait3A_103 : memref<100x128xf32, #tpu.memory_space<vmem>>) dst(%dma_wait3A_99 : memref<100x128xf32, #tpu.memory_space<vmem_shared>>)
      tpu.yield
    }) : () -> ()
    %mul3A_33 = arith.constant 625 : i32
    %mul3A_34 = arith.muli %arg1, %mul3A_33 : i32
    %add3A_35 = arith.constant 200 : i32
    %add3A_36 = arith.addi %mul3A_34, %add3A_35 : i32
    %run_scoped3A_37 = arith.constant 1 : i32
    "tpu.region"() ({
      %run_scoped3A_80 = tpu.sem_alloc : memref<!tpu.dma_semaphore, #tpu.memory_space<semaphore_mem>>
      %dma_start3A_81 = arith.constant 0 : i32
      %dma_start3A_82 = arith.constant 0 : i32
      %dma_start3A_83 = tpu.memref_slice %arg7[%run_scoped3A_37, %dma_start3A_81, %dma_start3A_82] : memref<2x100x128xf32, #tpu.memory_space<vmem>> -> memref<1x100x128xf32, #tpu.memory_space<vmem>>
      %dma_start3A_84 = tpu.memref_squeeze %dma_start3A_83 : memref<1x100x128xf32, #tpu.memory_space<vmem>> -> memref<100x128xf32, #tpu.memory_space<vmem>>
      %dma_start3A_85 = arith.constant 0 : i32
      %dma_start3A_86 = tpu.memref_slice %arg8[%add3A_36, %dma_start3A_85] : memref<10000x128xf32, #tpu.memory_space<vmem_shared>> -> memref<100x128xf32, #tpu.memory_space<vmem_shared>>
      %dma_start3A_87 = arith.constant 0 : i32
      %dma_start3A_88 = tpu.memref_slice %arg8[%add3A_36, %dma_start3A_87] : memref<10000x128xf32, #tpu.memory_space<vmem_shared>> -> memref<100x128xf32, #tpu.memory_space<vmem_shared>>
      %dma_start3A_89 = arith.constant 0 : i32
      %dma_start3A_90 = arith.constant 0 : i32
      %dma_start3A_91 = tpu.memref_slice %arg7[%run_scoped3A_37, %dma_start3A_89, %dma_start3A_90] : memref<2x100x128xf32, #tpu.memory_space<vmem>> -> memref<1x100x128xf32, #tpu.memory_space<vmem>>
      %dma_start3A_92 = tpu.memref_squeeze %dma_start3A_91 : memref<1x100x128xf32, #tpu.memory_space<vmem>> -> memref<100x128xf32, #tpu.memory_space<vmem>>
      tpu.enqueue_dma source(%dma_start3A_92 : memref<100x128xf32, #tpu.memory_space<vmem>>) target(%dma_start3A_88 : memref<100x128xf32, #tpu.memory_space<vmem_shared>>) target_semaphore(%run_scoped3A_80 : memref<!tpu.dma_semaphore, #tpu.memory_space<semaphore_mem>>)
      %dma_wait3A = arith.constant 0 : i32
      %dma_wait3A_93 = arith.constant 0 : i32
      %dma_wait3A_94 = tpu.memref_slice %arg7[%run_scoped3A_37, %dma_wait3A, %dma_wait3A_93] : memref<2x100x128xf32, #tpu.memory_space<vmem>> -> memref<1x100x128xf32, #tpu.memory_space<vmem>>
      %dma_wait3A_95 = tpu.memref_squeeze %dma_wait3A_94 : memref<1x100x128xf32, #tpu.memory_space<vmem>> -> memref<100x128xf32, #tpu.memory_space<vmem>>
      %dma_wait3A_96 = arith.constant 0 : i32
      %dma_wait3A_97 = tpu.memref_slice %arg8[%add3A_36, %dma_wait3A_96] : memref<10000x128xf32, #tpu.memory_space<vmem_shared>> -> memref<100x128xf32, #tpu.memory_space<vmem_shared>>
      %dma_wait3A_98 = arith.constant 0 : i32
      %dma_wait3A_99 = tpu.memref_slice %arg8[%add3A_36, %dma_wait3A_98] : memref<10000x128xf32, #tpu.memory_space<vmem_shared>> -> memref<100x128xf32, #tpu.memory_space<vmem_shared>>
      %dma_wait3A_100 = arith.constant 0 : i32
      %dma_wait3A_101 = arith.constant 0 : i32
      %dma_wait3A_102 = tpu.memref_slice %arg7[%run_scoped3A_37, %dma_wait3A_100, %dma_wait3A_101] : memref<2x100x128xf32, #tpu.memory_space<vmem>> -> memref<1x100x128xf32, #tpu.memory_space<vmem>>
      %dma_wait3A_103 = tpu.memref_squeeze %dma_wait3A_102 : memref<1x100x128xf32, #tpu.memory_space<vmem>> -> memref<100x128xf32, #tpu.memory_space<vmem>>
      tpu.wait_dma2 semaphore(%run_scoped3A_80 : memref<!tpu.dma_semaphore, #tpu.memory_space<semaphore_mem>>) src(%dma_wait3A_103 : memref<100x128xf32, #tpu.memory_space<vmem>>) dst(%dma_wait3A_99 : memref<100x128xf32, #tpu.memory_space<vmem_shared>>)
      tpu.yield
    }) : () -> ()
    %mul3A_38 = arith.constant 625 : i32
    %mul3A_39 = arith.muli %arg1, %mul3A_38 : i32
    %add3A_40 = arith.constant 300 : i32
    %add3A_41 = arith.addi %mul3A_39, %add3A_40 : i32
    %run_scoped3A_42 = arith.constant 1 : i32
    "tpu.region"() ({
      %run_scoped3A_80 = tpu.sem_alloc : memref<!tpu.dma_semaphore, #tpu.memory_space<semaphore_mem>>
      %dma_start3A_81 = arith.constant 0 : i32
      %dma_start3A_82 = arith.constant 0 : i32
      %dma_start3A_83 = tpu.memref_slice %arg7[%run_scoped3A_42, %dma_start3A_81, %dma_start3A_82] : memref<2x100x128xf32, #tpu.memory_space<vmem>> -> memref<1x100x128xf32, #tpu.memory_space<vmem>>
      %dma_start3A_84 = tpu.memref_squeeze %dma_start3A_83 : memref<1x100x128xf32, #tpu.memory_space<vmem>> -> memref<100x128xf32, #tpu.memory_space<vmem>>
      %dma_start3A_85 = arith.constant 0 : i32
      %dma_start3A_86 = tpu.memref_slice %arg8[%add3A_41, %dma_start3A_85] : memref<10000x128xf32, #tpu.memory_space<vmem_shared>> -> memref<100x128xf32, #tpu.memory_space<vmem_shared>>
      %dma_start3A_87 = arith.constant 0 : i32
      %dma_start3A_88 = tpu.memref_slice %arg8[%add3A_41, %dma_start3A_87] : memref<10000x128xf32, #tpu.memory_space<vmem_shared>> -> memref<100x128xf32, #tpu.memory_space<vmem_shared>>
      %dma_start3A_89 = arith.constant 0 : i32
      %dma_start3A_90 = arith.constant 0 : i32
      %dma_start3A_91 = tpu.memref_slice %arg7[%run_scoped3A_42, %dma_start3A_89, %dma_start3A_90] : memref<2x100x128xf32, #tpu.memory_space<vmem>> -> memref<1x100x128xf32, #tpu.memory_space<vmem>>
      %dma_start3A_92 = tpu.memref_squeeze %dma_start3A_91 : memref<1x100x128xf32, #tpu.memory_space<vmem>> -> memref<100x128xf32, #tpu.memory_space<vmem>>
      tpu.enqueue_dma source(%dma_start3A_92 : memref<100x128xf32, #tpu.memory_space<vmem>>) target(%dma_start3A_88 : memref<100x128xf32, #tpu.memory_space<vmem_shared>>) target_semaphore(%run_scoped3A_80 : memref<!tpu.dma_semaphore, #tpu.memory_space<semaphore_mem>>)
      %dma_wait3A = arith.constant 0 : i32
      %dma_wait3A_93 = arith.constant 0 : i32
      %dma_wait3A_94 = tpu.memref_slice %arg7[%run_scoped3A_42, %dma_wait3A, %dma_wait3A_93] : memref<2x100x128xf32, #tpu.memory_space<vmem>> -> memref<1x100x128xf32, #tpu.memory_space<vmem>>
      %dma_wait3A_95 = tpu.memref_squeeze %dma_wait3A_94 : memref<1x100x128xf32, #tpu.memory_space<vmem>> -> memref<100x128xf32, #tpu.memory_space<vmem>>
      %dma_wait3A_96 = arith.constant 0 : i32
      %dma_wait3A_97 = tpu.memref_slice %arg8[%add3A_41, %dma_wait3A_96] : memref<10000x128xf32, #tpu.memory_space<vmem_shared>> -> memref<100x128xf32, #tpu.memory_space<vmem_shared>>
      %dma_wait3A_98 = arith.constant 0 : i32
      %dma_wait3A_99 = tpu.memref_slice %arg8[%add3A_41, %dma_wait3A_98] : memref<10000x128xf32, #tpu.memory_space<vmem_shared>> -> memref<100x128xf32, #tpu.memory_space<vmem_shared>>
      %dma_wait3A_100 = arith.constant 0 : i32
      %dma_wait3A_101 = arith.constant 0 : i32
      %dma_wait3A_102 = tpu.memref_slice %arg7[%run_scoped3A_42, %dma_wait3A_100, %dma_wait3A_101] : memref<2x100x128xf32, #tpu.memory_space<vmem>> -> memref<1x100x128xf32, #tpu.memory_space<vmem>>
      %dma_wait3A_103 = tpu.memref_squeeze %dma_wait3A_102 : memref<1x100x128xf32, #tpu.memory_space<vmem>> -> memref<100x128xf32, #tpu.memory_space<vmem>>
      tpu.wait_dma2 semaphore(%run_scoped3A_80 : memref<!tpu.dma_semaphore, #tpu.memory_space<semaphore_mem>>) src(%dma_wait3A_103 : memref<100x128xf32, #tpu.memory_space<vmem>>) dst(%dma_wait3A_99 : memref<100x128xf32, #tpu.memory_space<vmem_shared>>)
      tpu.yield
    }) : () -> ()
    %mul3A_43 = arith.constant 625 : i32
    %mul3A_44 = arith.muli %arg1, %mul3A_43 : i32
    %add3A_45 = arith.constant 400 : i32
    %add3A_46 = arith.addi %mul3A_44, %add3A_45 : i32
    %run_scoped3A_47 = arith.constant 1 : i32
    "tpu.region"() ({
      %run_scoped3A_80 = tpu.sem_alloc : memref<!tpu.dma_semaphore, #tpu.memory_space<semaphore_mem>>
      %dma_start3A_81 = arith.constant 0 : i32
      %dma_start3A_82 = arith.constant 0 : i32
      %dma_start3A_83 = tpu.memref_slice %arg7[%run_scoped3A_47, %dma_start3A_81, %dma_start3A_82] : memref<2x100x128xf32, #tpu.memory_space<vmem>> -> memref<1x100x128xf32, #tpu.memory_space<vmem>>
      %dma_start3A_84 = tpu.memref_squeeze %dma_start3A_83 : memref<1x100x128xf32, #tpu.memory_space<vmem>> -> memref<100x128xf32, #tpu.memory_space<vmem>>
      %dma_start3A_85 = arith.constant 0 : i32
      %dma_start3A_86 = tpu.memref_slice %arg8[%add3A_46, %dma_start3A_85] : memref<10000x128xf32, #tpu.memory_space<vmem_shared>> -> memref<100x128xf32, #tpu.memory_space<vmem_shared>>
      %dma_start3A_87 = arith.constant 0 : i32
      %dma_start3A_88 = tpu.memref_slice %arg8[%add3A_46, %dma_start3A_87] : memref<10000x128xf32, #tpu.memory_space<vmem_shared>> -> memref<100x128xf32, #tpu.memory_space<vmem_shared>>
      %dma_start3A_89 = arith.constant 0 : i32
      %dma_start3A_90 = arith.constant 0 : i32
      %dma_start3A_91 = tpu.memref_slice %arg7[%run_scoped3A_47, %dma_start3A_89, %dma_start3A_90] : memref<2x100x128xf32, #tpu.memory_space<vmem>> -> memref<1x100x128xf32, #tpu.memory_space<vmem>>
      %dma_start3A_92 = tpu.memref_squeeze %dma_start3A_91 : memref<1x100x128xf32, #tpu.memory_space<vmem>> -> memref<100x128xf32, #tpu.memory_space<vmem>>
      tpu.enqueue_dma source(%dma_start3A_92 : memref<100x128xf32, #tpu.memory_space<vmem>>) target(%dma_start3A_88 : memref<100x128xf32, #tpu.memory_space<vmem_shared>>) target_semaphore(%run_scoped3A_80 : memref<!tpu.dma_semaphore, #tpu.memory_space<semaphore_mem>>)
      %dma_wait3A = arith.constant 0 : i32
      %dma_wait3A_93 = arith.constant 0 : i32
      %dma_wait3A_94 = tpu.memref_slice %arg7[%run_scoped3A_47, %dma_wait3A, %dma_wait3A_93] : memref<2x100x128xf32, #tpu.memory_space<vmem>> -> memref<1x100x128xf32, #tpu.memory_space<vmem>>
      %dma_wait3A_95 = tpu.memref_squeeze %dma_wait3A_94 : memref<1x100x128xf32, #tpu.memory_space<vmem>> -> memref<100x128xf32, #tpu.memory_space<vmem>>
      %dma_wait3A_96 = arith.constant 0 : i32
      %dma_wait3A_97 = tpu.memref_slice %arg8[%add3A_46, %dma_wait3A_96] : memref<10000x128xf32, #tpu.memory_space<vmem_shared>> -> memref<100x128xf32, #tpu.memory_space<vmem_shared>>
      %dma_wait3A_98 = arith.constant 0 : i32
      %dma_wait3A_99 = tpu.memref_slice %arg8[%add3A_46, %dma_wait3A_98] : memref<10000x128xf32, #tpu.memory_space<vmem_shared>> -> memref<100x128xf32, #tpu.memory_space<vmem_shared>>
      %dma_wait3A_100 = arith.constant 0 : i32
      %dma_wait3A_101 = arith.constant 0 : i32
      %dma_wait3A_102 = tpu.memref_slice %arg7[%run_scoped3A_47, %dma_wait3A_100, %dma_wait3A_101] : memref<2x100x128xf32, #tpu.memory_space<vmem>> -> memref<1x100x128xf32, #tpu.memory_space<vmem>>
      %dma_wait3A_103 = tpu.memref_squeeze %dma_wait3A_102 : memref<1x100x128xf32, #tpu.memory_space<vmem>> -> memref<100x128xf32, #tpu.memory_space<vmem>>
      tpu.wait_dma2 semaphore(%run_scoped3A_80 : memref<!tpu.dma_semaphore, #tpu.memory_space<semaphore_mem>>) src(%dma_wait3A_103 : memref<100x128xf32, #tpu.memory_space<vmem>>) dst(%dma_wait3A_99 : memref<100x128xf32, #tpu.memory_space<vmem_shared>>)
      tpu.yield
    }) : () -> ()
    %mul3A_48 = arith.constant 625 : i32
    %mul3A_49 = arith.muli %arg1, %mul3A_48 : i32
    %add3A_50 = arith.constant 500 : i32
    %add3A_51 = arith.addi %mul3A_49, %add3A_50 : i32
    %run_scoped3A_52 = arith.constant 1 : i32
    "tpu.region"() ({
      %run_scoped3A_80 = tpu.sem_alloc : memref<!tpu.dma_semaphore, #tpu.memory_space<semaphore_mem>>
      %dma_start3A_81 = arith.constant 0 : i32
      %dma_start3A_82 = arith.constant 0 : i32
      %dma_start3A_83 = tpu.memref_slice %arg7[%run_scoped3A_52, %dma_start3A_81, %dma_start3A_82] : memref<2x100x128xf32, #tpu.memory_space<vmem>> -> memref<1x100x128xf32, #tpu.memory_space<vmem>>
      %dma_start3A_84 = tpu.memref_squeeze %dma_start3A_83 : memref<1x100x128xf32, #tpu.memory_space<vmem>> -> memref<100x128xf32, #tpu.memory_space<vmem>>
      %dma_start3A_85 = arith.constant 0 : i32
      %dma_start3A_86 = tpu.memref_slice %arg8[%add3A_51, %dma_start3A_85] : memref<10000x128xf32, #tpu.memory_space<vmem_shared>> -> memref<100x128xf32, #tpu.memory_space<vmem_shared>>
      %dma_start3A_87 = arith.constant 0 : i32
      %dma_start3A_88 = tpu.memref_slice %arg8[%add3A_51, %dma_start3A_87] : memref<10000x128xf32, #tpu.memory_space<vmem_shared>> -> memref<100x128xf32, #tpu.memory_space<vmem_shared>>
      %dma_start3A_89 = arith.constant 0 : i32
      %dma_start3A_90 = arith.constant 0 : i32
      %dma_start3A_91 = tpu.memref_slice %arg7[%run_scoped3A_52, %dma_start3A_89, %dma_start3A_90] : memref<2x100x128xf32, #tpu.memory_space<vmem>> -> memref<1x100x128xf32, #tpu.memory_space<vmem>>
      %dma_start3A_92 = tpu.memref_squeeze %dma_start3A_91 : memref<1x100x128xf32, #tpu.memory_space<vmem>> -> memref<100x128xf32, #tpu.memory_space<vmem>>
      tpu.enqueue_dma source(%dma_start3A_92 : memref<100x128xf32, #tpu.memory_space<vmem>>) target(%dma_start3A_88 : memref<100x128xf32, #tpu.memory_space<vmem_shared>>) target_semaphore(%run_scoped3A_80 : memref<!tpu.dma_semaphore, #tpu.memory_space<semaphore_mem>>)
      %dma_wait3A = arith.constant 0 : i32
      %dma_wait3A_93 = arith.constant 0 : i32
      %dma_wait3A_94 = tpu.memref_slice %arg7[%run_scoped3A_52, %dma_wait3A, %dma_wait3A_93] : memref<2x100x128xf32, #tpu.memory_space<vmem>> -> memref<1x100x128xf32, #tpu.memory_space<vmem>>
      %dma_wait3A_95 = tpu.memref_squeeze %dma_wait3A_94 : memref<1x100x128xf32, #tpu.memory_space<vmem>> -> memref<100x128xf32, #tpu.memory_space<vmem>>
      %dma_wait3A_96 = arith.constant 0 : i32
      %dma_wait3A_97 = tpu.memref_slice %arg8[%add3A_51, %dma_wait3A_96] : memref<10000x128xf32, #tpu.memory_space<vmem_shared>> -> memref<100x128xf32, #tpu.memory_space<vmem_shared>>
      %dma_wait3A_98 = arith.constant 0 : i32
      %dma_wait3A_99 = tpu.memref_slice %arg8[%add3A_51, %dma_wait3A_98] : memref<10000x128xf32, #tpu.memory_space<vmem_shared>> -> memref<100x128xf32, #tpu.memory_space<vmem_shared>>
      %dma_wait3A_100 = arith.constant 0 : i32
      %dma_wait3A_101 = arith.constant 0 : i32
      %dma_wait3A_102 = tpu.memref_slice %arg7[%run_scoped3A_52, %dma_wait3A_100, %dma_wait3A_101] : memref<2x100x128xf32, #tpu.memory_space<vmem>> -> memref<1x100x128xf32, #tpu.memory_space<vmem>>
      %dma_wait3A_103 = tpu.memref_squeeze %dma_wait3A_102 : memref<1x100x128xf32, #tpu.memory_space<vmem>> -> memref<100x128xf32, #tpu.memory_space<vmem>>
      tpu.wait_dma2 semaphore(%run_scoped3A_80 : memref<!tpu.dma_semaphore, #tpu.memory_space<semaphore_mem>>) src(%dma_wait3A_103 : memref<100x128xf32, #tpu.memory_space<vmem>>) dst(%dma_wait3A_99 : memref<100x128xf32, #tpu.memory_space<vmem_shared>>)
      tpu.yield
    }) : () -> ()
    %mul3A_53 = arith.constant 625 : i32
    %mul3A_54 = arith.muli %arg1, %mul3A_53 : i32
    %add3A_55 = arith.constant 600 : i32
    %add3A_56 = arith.addi %mul3A_54, %add3A_55 : i32
    %run_scoped3A_57 = arith.constant 1 : i32
    "tpu.region"() ({
      %run_scoped3A_80 = tpu.sem_alloc : memref<!tpu.dma_semaphore, #tpu.memory_space<semaphore_mem>>
      %dma_start3A_81 = arith.constant 0 : i32
      %dma_start3A_82 = arith.constant 0 : i32
      %dma_start3A_83 = tpu.memref_slice %arg7[%run_scoped3A_57, %dma_start3A_81, %dma_start3A_82] : memref<2x100x128xf32, #tpu.memory_space<vmem>> -> memref<1x100x128xf32, #tpu.memory_space<vmem>>
      %dma_start3A_84 = tpu.memref_squeeze %dma_start3A_83 : memref<1x100x128xf32, #tpu.memory_space<vmem>> -> memref<100x128xf32, #tpu.memory_space<vmem>>
      %dma_start3A_85 = arith.constant 0 : i32
      %dma_start3A_86 = arith.constant 0 : i32
      %dma_start3A_87 = tpu.memref_slice %dma_start3A_84[%dma_start3A_85, %dma_start3A_86] : memref<100x128xf32, #tpu.memory_space<vmem>> -> memref<25x128xf32, #tpu.memory_space<vmem>>
      %dma_start3A_88 = arith.constant 0 : i32
      %dma_start3A_89 = tpu.memref_slice %arg8[%add3A_56, %dma_start3A_88] : memref<10000x128xf32, #tpu.memory_space<vmem_shared>> -> memref<25x128xf32, #tpu.memory_space<vmem_shared>>
      %dma_start3A_90 = arith.constant 0 : i32
      %dma_start3A_91 = tpu.memref_slice %arg8[%add3A_56, %dma_start3A_90] : memref<10000x128xf32, #tpu.memory_space<vmem_shared>> -> memref<25x128xf32, #tpu.memory_space<vmem_shared>>
      %dma_start3A_92 = arith.constant 0 : i32
      %dma_start3A_93 = arith.constant 0 : i32
      %dma_start3A_94 = tpu.memref_slice %arg7[%run_scoped3A_57, %dma_start3A_92, %dma_start3A_93] : memref<2x100x128xf32, #tpu.memory_space<vmem>> -> memref<1x100x128xf32, #tpu.memory_space<vmem>>
      %dma_start3A_95 = tpu.memref_squeeze %dma_start3A_94 : memref<1x100x128xf32, #tpu.memory_space<vmem>> -> memref<100x128xf32, #tpu.memory_space<vmem>>
      %dma_start3A_96 = arith.constant 0 : i32
      %dma_start3A_97 = arith.constant 0 : i32
      %dma_start3A_98 = tpu.memref_slice %dma_start3A_95[%dma_start3A_96, %dma_start3A_97] : memref<100x128xf32, #tpu.memory_space<vmem>> -> memref<25x128xf32, #tpu.memory_space<vmem>>
      tpu.enqueue_dma source(%dma_start3A_98 : memref<25x128xf32, #tpu.memory_space<vmem>>) target(%dma_start3A_91 : memref<25x128xf32, #tpu.memory_space<vmem_shared>>) target_semaphore(%run_scoped3A_80 : memref<!tpu.dma_semaphore, #tpu.memory_space<semaphore_mem>>)
      %dma_wait3A = arith.constant 0 : i32
      %dma_wait3A_99 = arith.constant 0 : i32
      %dma_wait3A_100 = tpu.memref_slice %arg7[%run_scoped3A_57, %dma_wait3A, %dma_wait3A_99] : memref<2x100x128xf32, #tpu.memory_space<vmem>> -> memref<1x100x128xf32, #tpu.memory_space<vmem>>
      %dma_wait3A_101 = tpu.memref_squeeze %dma_wait3A_100 : memref<1x100x128xf32, #tpu.memory_space<vmem>> -> memref<100x128xf32, #tpu.memory_space<vmem>>
      %dma_wait3A_102 = arith.constant 0 : i32
      %dma_wait3A_103 = arith.constant 0 : i32
      %dma_wait3A_104 = tpu.memref_slice %dma_wait3A_101[%dma_wait3A_102, %dma_wait3A_103] : memref<100x128xf32, #tpu.memory_space<vmem>> -> memref<25x128xf32, #tpu.memory_space<vmem>>
      %dma_wait3A_105 = arith.constant 0 : i32
      %dma_wait3A_106 = tpu.memref_slice %arg8[%add3A_56, %dma_wait3A_105] : memref<10000x128xf32, #tpu.memory_space<vmem_shared>> -> memref<25x128xf32, #tpu.memory_space<vmem_shared>>
      %dma_wait3A_107 = arith.constant 0 : i32
      %dma_wait3A_108 = tpu.memref_slice %arg8[%add3A_56, %dma_wait3A_107] : memref<10000x128xf32, #tpu.memory_space<vmem_shared>> -> memref<25x128xf32, #tpu.memory_space<vmem_shared>>
      %dma_wait3A_109 = arith.constant 0 : i32
      %dma_wait3A_110 = arith.constant 0 : i32
      %dma_wait3A_111 = tpu.memref_slice %arg7[%run_scoped3A_57, %dma_wait3A_109, %dma_wait3A_110] : memref<2x100x128xf32, #tpu.memory_space<vmem>> -> memref<1x100x128xf32, #tpu.memory_space<vmem>>
      %dma_wait3A_112 = tpu.memref_squeeze %dma_wait3A_111 : memref<1x100x128xf32, #tpu.memory_space<vmem>> -> memref<100x128xf32, #tpu.memory_space<vmem>>
      %dma_wait3A_113 = arith.constant 0 : i32
      %dma_wait3A_114 = arith.constant 0 : i32
      %dma_wait3A_115 = tpu.memref_slice %dma_wait3A_112[%dma_wait3A_113, %dma_wait3A_114] : memref<100x128xf32, #tpu.memory_space<vmem>> -> memref<25x128xf32, #tpu.memory_space<vmem>>
      tpu.wait_dma2 semaphore(%run_scoped3A_80 : memref<!tpu.dma_semaphore, #tpu.memory_space<semaphore_mem>>) src(%dma_wait3A_115 : memref<25x128xf32, #tpu.memory_space<vmem>>) dst(%dma_wait3A_108 : memref<25x128xf32, #tpu.memory_space<vmem_shared>>)
      tpu.yield
    }) : () -> ()
    %dma_start3A_58 = arith.constant 1 : i32
    %dma_start3A_59 = arith.constant 1 : i32
    %dma_start3A_60 = arith.constant 0 : i32
    %dma_start3A_61 = arith.constant 0 : i32
    %dma_start3A_62 = tpu.memref_slice %arg7[%dma_start3A_59, %dma_start3A_60, %dma_start3A_61] : memref<2x100x128xf32, #tpu.memory_space<vmem>> -> memref<1x100x128xf32, #tpu.memory_space<vmem>>
    %dma_start3A_63 = tpu.memref_squeeze %dma_start3A_62 : memref<1x100x128xf32, #tpu.memory_space<vmem>> -> memref<100x128xf32, #tpu.memory_space<vmem>>
    %dma_start3A_64 = arith.constant 0 : i32
    %dma_start3A_65 = tpu.memref_slice %arg5[%dma_start3A_58, %dma_start3A_64] : memref<100x100xi32, #tpu.memory_space<vmem>> -> memref<1x100xi32, #tpu.memory_space<vmem>>
    %dma_start3A_66 = tpu.memref_squeeze %dma_start3A_65 : memref<1x100xi32, #tpu.memory_space<vmem>> -> memref<100xi32, #tpu.memory_space<vmem>>
    %dma_start3A_67 = arith.constant 0 : i32
    %dma_start3A_68 = arith.constant 0 : i32
    %dma_start3A_69 = tpu.memref_slice %arg2[%dma_start3A_67, %dma_start3A_68] : memref<10000x128xf32, #tpu.memory_space<hbm>> -> memref<10000x128xf32, #tpu.memory_space<hbm>>
    tpu.enqueue_indirect_dma source(%dma_start3A_69 : memref<10000x128xf32, #tpu.memory_space<hbm>>) target(%dma_start3A_63 : memref<100x128xf32, #tpu.memory_space<vmem>>) offsets(%dma_start3A_66 : memref<100xi32, #tpu.memory_space<vmem>>) semaphore(%arg10 : memref<!tpu.dma_semaphore, #tpu.memory_space<semaphore_mem>>)
    %barrier3A = arith.constant 0 : index
    tpu.barrier barrier_id(%barrier3A)
    %scan3A_70 = arith.constant 0 : i32
    %scan3A_71 = arith.constant 0 : i32
    %scan3A_72 = arith.constant 50 : i32
    %scan3A_73 = arith.addi %scan3A_71, %scan3A_72 : i32
    %scan3A_74 = arith.constant 1 : i32
    %scan3A_75 = scf.for %scan3A_80 = %scan3A_71 to %scan3A_73 step %scan3A_74 iter_args(%scan3A_81 = %scan3A_70) -> (i32)  : i32 {
      %mul3A_82 = arith.constant 2 : i32
      %mul3A_83 = arith.muli %scan3A_80, %mul3A_82 : i32
      %add3A_84 = arith.constant 0 : i32
      %add3A_85 = arith.addi %mul3A_83, %add3A_84 : i32
      %dma_wait3A = arith.constant 0 : i32
      %dma_wait3A_86 = arith.constant 0 : i32
      %dma_wait3A_87 = arith.constant 0 : i32
      %dma_wait3A_88 = tpu.memref_slice %arg7[%dma_wait3A, %dma_wait3A_86, %dma_wait3A_87] : memref<2x100x128xf32, #tpu.memory_space<vmem>> -> memref<1x100x128xf32, #tpu.memory_space<vmem>>
      %dma_wait3A_89 = tpu.memref_squeeze %dma_wait3A_88 : memref<1x100x128xf32, #tpu.memory_space<vmem>> -> memref<100x128xf32, #tpu.memory_space<vmem>>
      %dma_wait3A_90 = arith.constant 0 : i32
      %dma_wait3A_91 = tpu.memref_slice %arg5[%add3A_85, %dma_wait3A_90] : memref<100x100xi32, #tpu.memory_space<vmem>> -> memref<1x100xi32, #tpu.memory_space<vmem>>
      %dma_wait3A_92 = tpu.memref_squeeze %dma_wait3A_91 : memref<1x100xi32, #tpu.memory_space<vmem>> -> memref<100xi32, #tpu.memory_space<vmem>>
      %dma_wait3A_93 = arith.constant 0 : i32
      %dma_wait3A_94 = arith.constant 0 : i32
      %dma_wait3A_95 = tpu.memref_slice %arg2[%dma_wait3A_93, %dma_wait3A_94] : memref<10000x128xf32, #tpu.memory_space<hbm>> -> memref<10000x128xf32, #tpu.memory_space<hbm>>
      tpu.wait_indirect_dma semaphore(%arg9 : memref<!tpu.dma_semaphore, #tpu.memory_space<semaphore_mem>>) src(%dma_wait3A_95 : memref<10000x128xf32, #tpu.memory_space<hbm>>) dst(%dma_wait3A_89 : memref<100x128xf32, #tpu.memory_space<vmem>>)
      %add3A_96 = arith.constant 0 : i32
      %add3A_97 = arith.addi %mul3A_83, %add3A_96 : i32
      %run_scoped3A_98 = arith.constant 0 : i32
      "tpu.region"() ({
        %run_scoped3A_131 = tpu.sem_alloc : memref<!tpu.dma_semaphore, #tpu.memory_space<semaphore_mem>>
        %dma_start3A_132 = arith.constant 0 : i32
        %dma_start3A_133 = arith.constant 0 : i32
        %dma_start3A_134 = tpu.memref_slice %arg7[%run_scoped3A_98, %dma_start3A_132, %dma_start3A_133] : memref<2x100x128xf32, #tpu.memory_space<vmem>> -> memref<1x100x128xf32, #tpu.memory_space<vmem>>
        %dma_start3A_135 = tpu.memref_squeeze %dma_start3A_134 : memref<1x100x128xf32, #tpu.memory_space<vmem>> -> memref<100x128xf32, #tpu.memory_space<vmem>>
        %dma_start3A_136 = arith.constant 0 : i32
        %dma_start3A_137 = tpu.memref_slice %arg6[%add3A_97, %dma_start3A_136] : memref<100x100xi32, #tpu.memory_space<vmem>> -> memref<1x100xi32, #tpu.memory_space<vmem>>
        %dma_start3A_138 = tpu.memref_squeeze %dma_start3A_137 : memref<1x100xi32, #tpu.memory_space<vmem>> -> memref<100xi32, #tpu.memory_space<vmem>>
        %dma_start3A_139 = arith.constant 0 : i32
        %dma_start3A_140 = arith.constant 0 : i32
        %dma_start3A_141 = tpu.memref_slice %arg8[%dma_start3A_139, %dma_start3A_140] : memref<10000x128xf32, #tpu.memory_space<vmem_shared>> -> memref<10000x128xf32, #tpu.memory_space<vmem_shared>>
        tpu.enqueue_indirect_dma source(%dma_start3A_135 : memref<100x128xf32, #tpu.memory_space<vmem>>) target(%dma_start3A_141 : memref<10000x128xf32, #tpu.memory_space<vmem_shared>>) offsets(%dma_start3A_138 : memref<100xi32, #tpu.memory_space<vmem>>) semaphore(%run_scoped3A_131 : memref<!tpu.dma_semaphore, #tpu.memory_space<semaphore_mem>>) {add = true}
        %dma_wait3A_142 = arith.constant 0 : i32
        %dma_wait3A_143 = arith.constant 0 : i32
        %dma_wait3A_144 = tpu.memref_slice %arg7[%run_scoped3A_98, %dma_wait3A_142, %dma_wait3A_143] : memref<2x100x128xf32, #tpu.memory_space<vmem>> -> memref<1x100x128xf32, #tpu.memory_space<vmem>>
        %dma_wait3A_145 = tpu.memref_squeeze %dma_wait3A_144 : memref<1x100x128xf32, #tpu.memory_space<vmem>> -> memref<100x128xf32, #tpu.memory_space<vmem>>
        %dma_wait3A_146 = arith.constant 0 : i32
        %dma_wait3A_147 = tpu.memref_slice %arg6[%add3A_97, %dma_wait3A_146] : memref<100x100xi32, #tpu.memory_space<vmem>> -> memref<1x100xi32, #tpu.memory_space<vmem>>
        %dma_wait3A_148 = tpu.memref_squeeze %dma_wait3A_147 : memref<1x100xi32, #tpu.memory_space<vmem>> -> memref<100xi32, #tpu.memory_space<vmem>>
        %dma_wait3A_149 = arith.constant 0 : i32
        %dma_wait3A_150 = arith.constant 0 : i32
        %dma_wait3A_151 = tpu.memref_slice %arg8[%dma_wait3A_149, %dma_wait3A_150] : memref<10000x128xf32, #tpu.memory_space<vmem_shared>> -> memref<10000x128xf32, #tpu.memory_space<vmem_shared>>
        tpu.wait_indirect_dma semaphore(%run_scoped3A_131 : memref<!tpu.dma_semaphore, #tpu.memory_space<semaphore_mem>>) src(%dma_wait3A_145 : memref<100x128xf32, #tpu.memory_space<vmem>>) dst(%dma_wait3A_151 : memref<10000x128xf32, #tpu.memory_space<vmem_shared>>)
        tpu.yield
      }) : () -> ()
      %add3A_99 = arith.constant 0 : i32
      %add3A_100 = arith.addi %mul3A_83, %add3A_99 : i32
      %add3A_101 = arith.constant 2 : i32
      %add3A_102 = arith.addi %add3A_100, %add3A_101 : i32
      %lt3A = arith.constant 100 : i32
      %lt3A_103 = arith.cmpi slt, %add3A_102, %lt3A : i32
      %convert_element_type3A = arith.extui %lt3A_103 : i1 to i32
      %cond3A = arith.constant 0 : i32
      %cond3A_104 = arith.cmpi ne, %convert_element_type3A, %cond3A : i32
      scf.if %cond3A_104 {
        %add3A_131 = arith.constant 0 : i32
        %add3A_132 = arith.addi %mul3A_83, %add3A_131 : i32
        %add3A_133 = arith.constant 2 : i32
        %add3A_134 = arith.addi %add3A_132, %add3A_133 : i32
        %dma_start3A_135 = arith.constant 0 : i32
        %dma_start3A_136 = arith.constant 0 : i32
        %dma_start3A_137 = arith.constant 0 : i32
        %dma_start3A_138 = tpu.memref_slice %arg7[%dma_start3A_135, %dma_start3A_136, %dma_start3A_137] : memref<2x100x128xf32, #tpu.memory_space<vmem>> -> memref<1x100x128xf32, #tpu.memory_space<vmem>>
        %dma_start3A_139 = tpu.memref_squeeze %dma_start3A_138 : memref<1x100x128xf32, #tpu.memory_space<vmem>> -> memref<100x128xf32, #tpu.memory_space<vmem>>
        %dma_start3A_140 = arith.constant 0 : i32
        %dma_start3A_141 = tpu.memref_slice %arg5[%add3A_134, %dma_start3A_140] : memref<100x100xi32, #tpu.memory_space<vmem>> -> memref<1x100xi32, #tpu.memory_space<vmem>>
        %dma_start3A_142 = tpu.memref_squeeze %dma_start3A_141 : memref<1x100xi32, #tpu.memory_space<vmem>> -> memref<100xi32, #tpu.memory_space<vmem>>
        %dma_start3A_143 = arith.constant 0 : i32
        %dma_start3A_144 = arith.constant 0 : i32
        %dma_start3A_145 = tpu.memref_slice %arg2[%dma_start3A_143, %dma_start3A_144] : memref<10000x128xf32, #tpu.memory_space<hbm>> -> memref<10000x128xf32, #tpu.memory_space<hbm>>
        tpu.enqueue_indirect_dma source(%dma_start3A_145 : memref<10000x128xf32, #tpu.memory_space<hbm>>) target(%dma_start3A_139 : memref<100x128xf32, #tpu.memory_space<vmem>>) offsets(%dma_start3A_142 : memref<100xi32, #tpu.memory_space<vmem>>) semaphore(%arg9 : memref<!tpu.dma_semaphore, #tpu.memory_space<semaphore_mem>>)
      } else {
      }
      %add3A_105 = arith.constant 1 : i32
      %add3A_106 = arith.addi %mul3A_83, %add3A_105 : i32
      %dma_wait3A_107 = arith.constant 1 : i32
      %dma_wait3A_108 = arith.constant 0 : i32
      %dma_wait3A_109 = arith.constant 0 : i32
      %dma_wait3A_110 = tpu.memref_slice %arg7[%dma_wait3A_107, %dma_wait3A_108, %dma_wait3A_109] : memref<2x100x128xf32, #tpu.memory_space<vmem>> -> memref<1x100x128xf32, #tpu.memory_space<vmem>>
      %dma_wait3A_111 = tpu.memref_squeeze %dma_wait3A_110 : memref<1x100x128xf32, #tpu.memory_space<vmem>> -> memref<100x128xf32, #tpu.memory_space<vmem>>
      %dma_wait3A_112 = arith.constant 0 : i32
      %dma_wait3A_113 = tpu.memref_slice %arg5[%add3A_106, %dma_wait3A_112] : memref<100x100xi32, #tpu.memory_space<vmem>> -> memref<1x100xi32, #tpu.memory_space<vmem>>
      %dma_wait3A_114 = tpu.memref_squeeze %dma_wait3A_113 : memref<1x100xi32, #tpu.memory_space<vmem>> -> memref<100xi32, #tpu.memory_space<vmem>>
      %dma_wait3A_115 = arith.constant 0 : i32
      %dma_wait3A_116 = arith.constant 0 : i32
      %dma_wait3A_117 = tpu.memref_slice %arg2[%dma_wait3A_115, %dma_wait3A_116] : memref<10000x128xf32, #tpu.memory_space<hbm>> -> memref<10000x128xf32, #tpu.memory_space<hbm>>
      tpu.wait_indirect_dma semaphore(%arg10 : memref<!tpu.dma_semaphore, #tpu.memory_space<semaphore_mem>>) src(%dma_wait3A_117 : memref<10000x128xf32, #tpu.memory_space<hbm>>) dst(%dma_wait3A_111 : memref<100x128xf32, #tpu.memory_space<vmem>>)
      %add3A_118 = arith.constant 1 : i32
      %add3A_119 = arith.addi %mul3A_83, %add3A_118 : i32
      %run_scoped3A_120 = arith.constant 1 : i32
      "tpu.region"() ({
        %run_scoped3A_131 = tpu.sem_alloc : memref<!tpu.dma_semaphore, #tpu.memory_space<semaphore_mem>>
        %dma_start3A_132 = arith.constant 0 : i32
        %dma_start3A_133 = arith.constant 0 : i32
        %dma_start3A_134 = tpu.memref_slice %arg7[%run_scoped3A_120, %dma_start3A_132, %dma_start3A_133] : memref<2x100x128xf32, #tpu.memory_space<vmem>> -> memref<1x100x128xf32, #tpu.memory_space<vmem>>
        %dma_start3A_135 = tpu.memref_squeeze %dma_start3A_134 : memref<1x100x128xf32, #tpu.memory_space<vmem>> -> memref<100x128xf32, #tpu.memory_space<vmem>>
        %dma_start3A_136 = arith.constant 0 : i32
        %dma_start3A_137 = tpu.memref_slice %arg6[%add3A_119, %dma_start3A_136] : memref<100x100xi32, #tpu.memory_space<vmem>> -> memref<1x100xi32, #tpu.memory_space<vmem>>
        %dma_start3A_138 = tpu.memref_squeeze %dma_start3A_137 : memref<1x100xi32, #tpu.memory_space<vmem>> -> memref<100xi32, #tpu.memory_space<vmem>>
        %dma_start3A_139 = arith.constant 0 : i32
        %dma_start3A_140 = arith.constant 0 : i32
        %dma_start3A_141 = tpu.memref_slice %arg8[%dma_start3A_139, %dma_start3A_140] : memref<10000x128xf32, #tpu.memory_space<vmem_shared>> -> memref<10000x128xf32, #tpu.memory_space<vmem_shared>>
        tpu.enqueue_indirect_dma source(%dma_start3A_135 : memref<100x128xf32, #tpu.memory_space<vmem>>) target(%dma_start3A_141 : memref<10000x128xf32, #tpu.memory_space<vmem_shared>>) offsets(%dma_start3A_138 : memref<100xi32, #tpu.memory_space<vmem>>) semaphore(%run_scoped3A_131 : memref<!tpu.dma_semaphore, #tpu.memory_space<semaphore_mem>>) {add = true}
        %dma_wait3A_142 = arith.constant 0 : i32
        %dma_wait3A_143 = arith.constant 0 : i32
        %dma_wait3A_144 = tpu.memref_slice %arg7[%run_scoped3A_120, %dma_wait3A_142, %dma_wait3A_143] : memref<2x100x128xf32, #tpu.memory_space<vmem>> -> memref<1x100x128xf32, #tpu.memory_space<vmem>>
        %dma_wait3A_145 = tpu.memref_squeeze %dma_wait3A_144 : memref<1x100x128xf32, #tpu.memory_space<vmem>> -> memref<100x128xf32, #tpu.memory_space<vmem>>
        %dma_wait3A_146 = arith.constant 0 : i32
        %dma_wait3A_147 = tpu.memref_slice %arg6[%add3A_119, %dma_wait3A_146] : memref<100x100xi32, #tpu.memory_space<vmem>> -> memref<1x100xi32, #tpu.memory_space<vmem>>
        %dma_wait3A_148 = tpu.memref_squeeze %dma_wait3A_147 : memref<1x100xi32, #tpu.memory_space<vmem>> -> memref<100xi32, #tpu.memory_space<vmem>>
        %dma_wait3A_149 = arith.constant 0 : i32
        %dma_wait3A_150 = arith.constant 0 : i32
        %dma_wait3A_151 = tpu.memref_slice %arg8[%dma_wait3A_149, %dma_wait3A_150] : memref<10000x128xf32, #tpu.memory_space<vmem_shared>> -> memref<10000x128xf32, #tpu.memory_space<vmem_shared>>
        tpu.wait_indirect_dma semaphore(%run_scoped3A_131 : memref<!tpu.dma_semaphore, #tpu.memory_space<semaphore_mem>>) src(%dma_wait3A_145 : memref<100x128xf32, #tpu.memory_space<vmem>>) dst(%dma_wait3A_151 : memref<10000x128xf32, #tpu.memory_space<vmem_shared>>)
        tpu.yield
      }) : () -> ()
      %add3A_121 = arith.constant 1 : i32
      %add3A_122 = arith.addi %mul3A_83, %add3A_121 : i32
      %add3A_123 = arith.constant 2 : i32
      %add3A_124 = arith.addi %add3A_122, %add3A_123 : i32
      %lt3A_125 = arith.constant 100 : i32
      %lt3A_126 = arith.cmpi slt, %add3A_124, %lt3A_125 : i32
      %convert_element_type3A_127 = arith.extui %lt3A_126 : i1 to i32
      %cond3A_128 = arith.constant 0 : i32
      %cond3A_129 = arith.cmpi ne, %convert_element_type3A_127, %cond3A_128 : i32
      scf.if %cond3A_129 {
        %add3A_131 = arith.constant 1 : i32
        %add3A_132 = arith.addi %mul3A_83, %add3A_131 : i32
        %add3A_133 = arith.constant 2 : i32
        %add3A_134 = arith.addi %add3A_132, %add3A_133 : i32
        %dma_start3A_135 = arith.constant 1 : i32
        %dma_start3A_136 = arith.constant 0 : i32
        %dma_start3A_137 = arith.constant 0 : i32
        %dma_start3A_138 = tpu.memref_slice %arg7[%dma_start3A_135, %dma_start3A_136, %dma_start3A_137] : memref<2x100x128xf32, #tpu.memory_space<vmem>> -> memref<1x100x128xf32, #tpu.memory_space<vmem>>
        %dma_start3A_139 = tpu.memref_squeeze %dma_start3A_138 : memref<1x100x128xf32, #tpu.memory_space<vmem>> -> memref<100x128xf32, #tpu.memory_space<vmem>>
        %dma_start3A_140 = arith.constant 0 : i32
        %dma_start3A_141 = tpu.memref_slice %arg5[%add3A_134, %dma_start3A_140] : memref<100x100xi32, #tpu.memory_space<vmem>> -> memref<1x100xi32, #tpu.memory_space<vmem>>
        %dma_start3A_142 = tpu.memref_squeeze %dma_start3A_141 : memref<1x100xi32, #tpu.memory_space<vmem>> -> memref<100xi32, #tpu.memory_space<vmem>>
        %dma_start3A_143 = arith.constant 0 : i32
        %dma_start3A_144 = arith.constant 0 : i32
        %dma_start3A_145 = tpu.memref_slice %arg2[%dma_start3A_143, %dma_start3A_144] : memref<10000x128xf32, #tpu.memory_space<hbm>> -> memref<10000x128xf32, #tpu.memory_space<hbm>>
        tpu.enqueue_indirect_dma source(%dma_start3A_145 : memref<10000x128xf32, #tpu.memory_space<hbm>>) target(%dma_start3A_139 : memref<100x128xf32, #tpu.memory_space<vmem>>) offsets(%dma_start3A_142 : memref<100xi32, #tpu.memory_space<vmem>>) semaphore(%arg10 : memref<!tpu.dma_semaphore, #tpu.memory_space<semaphore_mem>>)
      } else {
      }
      %scan3A_130 = arith.constant 0 : i32
      scf.yield %scan3A_130 : i32
    }
    %scan3A_76 = arith.constant 50 : i32
    %barrier3A_77 = arith.constant 0 : index
    tpu.barrier barrier_id(%barrier3A_77)
    %mul3A_78 = arith.constant 625 : i32
    %mul3A_79 = arith.muli %arg1, %mul3A_78 : i32
    "tpu.region"() ({
      %run_scoped3A_80 = tpu.sem_alloc : memref<!tpu.dma_semaphore, #tpu.memory_space<semaphore_mem>>
      %dma_start3A_81 = arith.constant 0 : i32
      %dma_start3A_82 = arith.constant 0 : i32
      %dma_start3A_83 = tpu.memref_slice %arg4[%arg0, %dma_start3A_81, %dma_start3A_82] : memref<2x10000x128xf32, #tpu.memory_space<hbm>> -> memref<1x10000x128xf32, #tpu.memory_space<hbm>>
      %dma_start3A_84 = tpu.memref_squeeze %dma_start3A_83 : memref<1x10000x128xf32, #tpu.memory_space<hbm>> -> memref<10000x128xf32, #tpu.memory_space<hbm>>
      %dma_start3A_85 = arith.constant 0 : i32
      %dma_start3A_86 = tpu.memref_slice %dma_start3A_84[%mul3A_79, %dma_start3A_85] : memref<10000x128xf32, #tpu.memory_space<hbm>> -> memref<625x128xf32, #tpu.memory_space<hbm>>
      %dma_start3A_87 = arith.constant 0 : i32
      %dma_start3A_88 = tpu.memref_slice %arg8[%mul3A_79, %dma_start3A_87] : memref<10000x128xf32, #tpu.memory_space<vmem_shared>> -> memref<625x128xf32, #tpu.memory_space<vmem_shared>>
      tpu.enqueue_dma source(%dma_start3A_88 : memref<625x128xf32, #tpu.memory_space<vmem_shared>>) target(%dma_start3A_86 : memref<625x128xf32, #tpu.memory_space<hbm>>) target_semaphore(%run_scoped3A_80 : memref<!tpu.dma_semaphore, #tpu.memory_space<semaphore_mem>>)
      %dma_wait3A = arith.constant 0 : i32
      %dma_wait3A_89 = arith.constant 0 : i32
      %dma_wait3A_90 = tpu.memref_slice %arg4[%arg0, %dma_wait3A, %dma_wait3A_89] : memref<2x10000x128xf32, #tpu.memory_space<hbm>> -> memref<1x10000x128xf32, #tpu.memory_space<hbm>>
      %dma_wait3A_91 = tpu.memref_squeeze %dma_wait3A_90 : memref<1x10000x128xf32, #tpu.memory_space<hbm>> -> memref<10000x128xf32, #tpu.memory_space<hbm>>
      %dma_wait3A_92 = arith.constant 0 : i32
      %dma_wait3A_93 = tpu.memref_slice %dma_wait3A_91[%mul3A_79, %dma_wait3A_92] : memref<10000x128xf32, #tpu.memory_space<hbm>> -> memref<625x128xf32, #tpu.memory_space<hbm>>
      %dma_wait3A_94 = arith.constant 0 : i32
      %dma_wait3A_95 = tpu.memref_slice %arg8[%mul3A_79, %dma_wait3A_94] : memref<10000x128xf32, #tpu.memory_space<vmem_shared>> -> memref<625x128xf32, #tpu.memory_space<vmem_shared>>
      tpu.wait_dma2 semaphore(%run_scoped3A_80 : memref<!tpu.dma_semaphore, #tpu.memory_space<semaphore_mem>>) src(%dma_wait3A_95 : memref<625x128xf32, #tpu.memory_space<vmem_shared>>) dst(%dma_wait3A_93 : memref<625x128xf32, #tpu.memory_space<hbm>>)
      tpu.yield
    }) : () -> ()
    return
  }
}

#map = affine_map<(d0, d1) -> (0, 0)>
module attributes {stable_mosaic.version = 14 : i64} {
  func.func @_hist_body(%arg0: i32, %arg1: i32, %arg2: memref<2x320000xi32, #tpu.memory_space<hbm>>, %arg3: memref<32x10000xf32, #tpu.memory_space<hbm>>, %arg4: memref<10000xi32, #tpu.memory_space<vmem>>, %arg5: memref<10000xf32, #tpu.memory_space<vmem>>) attributes {dimension_semantics = [#tpu.dimension_semantics<core_parallel>, #tpu.dimension_semantics<subcore_parallel>], iteration_bounds = array<i64: 2, 16>, scalar_prefetch = 0 : i64, scratch_operands = 2 : i64, tpu.core_type = #tpu.core_type<sc_vector_subcore>, window_params = [{transform_indices = #map}, {transform_indices = #map}]} {
    %mul3A = arith.constant 16 : i32
    %mul3A_0 = arith.muli %arg0, %mul3A : i32
    %add3A = arith.addi %mul3A_0, %arg1 : i32
    %mul3A_1 = arith.constant 10000 : i32
    %mul3A_2 = arith.muli %add3A, %mul3A_1 : i32
    %run_scoped3A = arith.constant 1 : i32
    "tpu.region"() ({
      %run_scoped3A_23 = tpu.sem_alloc : memref<!tpu.dma_semaphore, #tpu.memory_space<semaphore_mem>>
      %dma_start3A = arith.constant 0 : i32
      %dma_start3A_24 = tpu.memref_slice %arg2[%run_scoped3A, %dma_start3A] : memref<2x320000xi32, #tpu.memory_space<hbm>> -> memref<1x320000xi32, #tpu.memory_space<hbm>>
      %dma_start3A_25 = tpu.memref_squeeze %dma_start3A_24 : memref<1x320000xi32, #tpu.memory_space<hbm>> -> memref<320000xi32, #tpu.memory_space<hbm>>
      %dma_start3A_26 = tpu.memref_slice %dma_start3A_25[%mul3A_2] : memref<320000xi32, #tpu.memory_space<hbm>> -> memref<10000xi32, #tpu.memory_space<hbm>>
      %dma_start3A_27 = arith.constant 0 : i32
      %dma_start3A_28 = tpu.memref_slice %arg2[%run_scoped3A, %dma_start3A_27] : memref<2x320000xi32, #tpu.memory_space<hbm>> -> memref<1x320000xi32, #tpu.memory_space<hbm>>
      %dma_start3A_29 = tpu.memref_squeeze %dma_start3A_28 : memref<1x320000xi32, #tpu.memory_space<hbm>> -> memref<320000xi32, #tpu.memory_space<hbm>>
      %dma_start3A_30 = tpu.memref_slice %dma_start3A_29[%mul3A_2] : memref<320000xi32, #tpu.memory_space<hbm>> -> memref<10000xi32, #tpu.memory_space<hbm>>
      tpu.enqueue_dma source(%dma_start3A_30 : memref<10000xi32, #tpu.memory_space<hbm>>) target(%arg4 : memref<10000xi32, #tpu.memory_space<vmem>>) target_semaphore(%run_scoped3A_23 : memref<!tpu.dma_semaphore, #tpu.memory_space<semaphore_mem>>)
      %dma_wait3A = arith.constant 0 : i32
      %dma_wait3A_31 = tpu.memref_slice %arg2[%run_scoped3A, %dma_wait3A] : memref<2x320000xi32, #tpu.memory_space<hbm>> -> memref<1x320000xi32, #tpu.memory_space<hbm>>
      %dma_wait3A_32 = tpu.memref_squeeze %dma_wait3A_31 : memref<1x320000xi32, #tpu.memory_space<hbm>> -> memref<320000xi32, #tpu.memory_space<hbm>>
      %dma_wait3A_33 = tpu.memref_slice %dma_wait3A_32[%mul3A_2] : memref<320000xi32, #tpu.memory_space<hbm>> -> memref<10000xi32, #tpu.memory_space<hbm>>
      %dma_wait3A_34 = arith.constant 0 : i32
      %dma_wait3A_35 = tpu.memref_slice %arg2[%run_scoped3A, %dma_wait3A_34] : memref<2x320000xi32, #tpu.memory_space<hbm>> -> memref<1x320000xi32, #tpu.memory_space<hbm>>
      %dma_wait3A_36 = tpu.memref_squeeze %dma_wait3A_35 : memref<1x320000xi32, #tpu.memory_space<hbm>> -> memref<320000xi32, #tpu.memory_space<hbm>>
      %dma_wait3A_37 = tpu.memref_slice %dma_wait3A_36[%mul3A_2] : memref<320000xi32, #tpu.memory_space<hbm>> -> memref<10000xi32, #tpu.memory_space<hbm>>
      tpu.wait_dma2 semaphore(%run_scoped3A_23 : memref<!tpu.dma_semaphore, #tpu.memory_space<semaphore_mem>>) src(%dma_wait3A_37 : memref<10000xi32, #tpu.memory_space<hbm>>) dst(%arg4 : memref<10000xi32, #tpu.memory_space<vmem>>)
      tpu.yield
    }) : () -> ()
    %scan3A = arith.constant 0 : i32
    %scan3A_3 = arith.constant 0 : i32
    %scan3A_4 = arith.constant 625 : i32
    %scan3A_5 = arith.addi %scan3A_3, %scan3A_4 : i32
    %scan3A_6 = arith.constant 1 : i32
    %scan3A_7 = scf.for %scan3A_23 = %scan3A_3 to %scan3A_5 step %scan3A_6 iter_args(%scan3A_24 = %scan3A) -> (i32)  : i32 {
      %broadcast_in_dim3A_25 = arith.constant 0.000000e+00 : f32
      %broadcast_in_dim3A_26 = vector.broadcast %broadcast_in_dim3A_25 : f32 to vector<16xf32>
      %mul3A_27 = arith.constant 16 : i32
      %mul3A_28 = arith.muli %scan3A_23, %mul3A_27 : i32
      %swap3A = arith.index_cast %mul3A_28 : i32 to index
      %swap3A_29 = tpu.vector_load %arg5[%swap3A] {strides = array<i32>} : memref<10000xf32, #tpu.memory_space<vmem>>, vector<16xf32>,
      tpu.vector_store %arg5[%swap3A], %broadcast_in_dim3A_26 {strides = array<i32>} : memref<10000xf32, #tpu.memory_space<vmem>>, vector<16xf32>,
      %scan3A_30 = arith.constant 0 : i32
      scf.yield %scan3A_30 : i32
    }
    %scan3A_8 = arith.constant 625 : i32
    %broadcast_in_dim3A = arith.constant 1.000000e+00 : f32
    %broadcast_in_dim3A_9 = vector.broadcast %broadcast_in_dim3A : f32 to vector<16xf32>
    %scan3A_10 = arith.constant 0 : i32
    %scan3A_11 = arith.constant 0 : i32
    %scan3A_12 = arith.constant 624 : i32
    %scan3A_13 = arith.addi %scan3A_11, %scan3A_12 : i32
    %scan3A_14 = arith.constant 4 : i32
    %scan3A_15 = scf.for %scan3A_23 = %scan3A_11 to %scan3A_13 step %scan3A_14 iter_args(%scan3A_24 = %scan3A_10) -> (i32)  : i32 {
      %mul3A_25 = arith.constant 16 : i32
      %mul3A_26 = arith.muli %scan3A_23, %mul3A_25 : i32
      %get3A_27 = arith.index_cast %mul3A_26 : i32 to index
      %get3A_28 = tpu.vector_load %arg4[%get3A_27] {strides = array<i32>} : memref<10000xi32, #tpu.memory_space<vmem>>, vector<16xi32>,
      tpu.vector_store_idx %arg5[%get3A_28], %broadcast_in_dim3A_9 {add = true} : memref<10000xf32, #tpu.memory_space<vmem>>[vector<16xi32>], vector<16xf32>,
      %scan3A_29 = arith.constant 0 : i32
      %scan3A_30 = arith.constant 1 : i32
      %scan3A_31 = arith.addi %scan3A_23, %scan3A_30 : i32
      %mul3A_32 = arith.constant 16 : i32
      %mul3A_33 = arith.muli %scan3A_31, %mul3A_32 : i32
      %get3A_34 = arith.index_cast %mul3A_33 : i32 to index
      %get3A_35 = tpu.vector_load %arg4[%get3A_34] {strides = array<i32>} : memref<10000xi32, #tpu.memory_space<vmem>>, vector<16xi32>,
      tpu.vector_store_idx %arg5[%get3A_35], %broadcast_in_dim3A_9 {add = true} : memref<10000xf32, #tpu.memory_space<vmem>>[vector<16xi32>], vector<16xf32>,
      %scan3A_36 = arith.constant 0 : i32
      %scan3A_37 = arith.constant 2 : i32
      %scan3A_38 = arith.addi %scan3A_23, %scan3A_37 : i32
      %mul3A_39 = arith.constant 16 : i32
      %mul3A_40 = arith.muli %scan3A_38, %mul3A_39 : i32
      %get3A_41 = arith.index_cast %mul3A_40 : i32 to index
      %get3A_42 = tpu.vector_load %arg4[%get3A_41] {strides = array<i32>} : memref<10000xi32, #tpu.memory_space<vmem>>, vector<16xi32>,
      tpu.vector_store_idx %arg5[%get3A_42], %broadcast_in_dim3A_9 {add = true} : memref<10000xf32, #tpu.memory_space<vmem>>[vector<16xi32>], vector<16xf32>,
      %scan3A_43 = arith.constant 0 : i32
      %scan3A_44 = arith.constant 3 : i32
      %scan3A_45 = arith.addi %scan3A_23, %scan3A_44 : i32
      %mul3A_46 = arith.constant 16 : i32
      %mul3A_47 = arith.muli %scan3A_45, %mul3A_46 : i32
      %get3A_48 = arith.index_cast %mul3A_47 : i32 to index
      %get3A_49 = tpu.vector_load %arg4[%get3A_48] {strides = array<i32>} : memref<10000xi32, #tpu.memory_space<vmem>>, vector<16xi32>,
      tpu.vector_store_idx %arg5[%get3A_49], %broadcast_in_dim3A_9 {add = true} : memref<10000xf32, #tpu.memory_space<vmem>>[vector<16xi32>], vector<16xf32>,
      %scan3A_50 = arith.constant 0 : i32
      scf.yield %scan3A_50 : i32
    }
    %scan3A_16 = arith.constant 624 : i32
    %scan3A_17 = arith.addi %scan3A_11, %scan3A_16 : i32
    %mul3A_18 = arith.constant 16 : i32
    %mul3A_19 = arith.muli %scan3A_17, %mul3A_18 : i32
    %get3A = arith.index_cast %mul3A_19 : i32 to index
    %get3A_20 = tpu.vector_load %arg4[%get3A] {strides = array<i32>} : memref<10000xi32, #tpu.memory_space<vmem>>, vector<16xi32>,
    tpu.vector_store_idx %arg5[%get3A_20], %broadcast_in_dim3A_9 {add = true} : memref<10000xf32, #tpu.memory_space<vmem>>[vector<16xi32>], vector<16xf32>,
    %scan3A_21 = arith.constant 0 : i32
    %scan3A_22 = arith.constant 625 : i32
    "tpu.region"() ({
      %run_scoped3A_23 = tpu.sem_alloc : memref<!tpu.dma_semaphore, #tpu.memory_space<semaphore_mem>>
      %dma_start3A = arith.constant 0 : i32
      %dma_start3A_24 = tpu.memref_slice %arg3[%add3A, %dma_start3A] : memref<32x10000xf32, #tpu.memory_space<hbm>> -> memref<1x10000xf32, #tpu.memory_space<hbm>>
      %dma_start3A_25 = tpu.memref_squeeze %dma_start3A_24 : memref<1x10000xf32, #tpu.memory_space<hbm>> -> memref<10000xf32, #tpu.memory_space<hbm>>
      %dma_start3A_26 = arith.constant 0 : i32
      %dma_start3A_27 = tpu.memref_slice %arg3[%add3A, %dma_start3A_26] : memref<32x10000xf32, #tpu.memory_space<hbm>> -> memref<1x10000xf32, #tpu.memory_space<hbm>>
      %dma_start3A_28 = tpu.memref_squeeze %dma_start3A_27 : memref<1x10000xf32, #tpu.memory_space<hbm>> -> memref<10000xf32, #tpu.memory_space<hbm>>
      tpu.enqueue_dma source(%arg5 : memref<10000xf32, #tpu.memory_space<vmem>>) target(%dma_start3A_28 : memref<10000xf32, #tpu.memory_space<hbm>>) target_semaphore(%run_scoped3A_23 : memref<!tpu.dma_semaphore, #tpu.memory_space<semaphore_mem>>)
      %dma_wait3A = arith.constant 0 : i32
      %dma_wait3A_29 = tpu.memref_slice %arg3[%add3A, %dma_wait3A] : memref<32x10000xf32, #tpu.memory_space<hbm>> -> memref<1x10000xf32, #tpu.memory_space<hbm>>
      %dma_wait3A_30 = tpu.memref_squeeze %dma_wait3A_29 : memref<1x10000xf32, #tpu.memory_space<hbm>> -> memref<10000xf32, #tpu.memory_space<hbm>>
      %dma_wait3A_31 = arith.constant 0 : i32
      %dma_wait3A_32 = tpu.memref_slice %arg3[%add3A, %dma_wait3A_31] : memref<32x10000xf32, #tpu.memory_space<hbm>> -> memref<1x10000xf32, #tpu.memory_space<hbm>>
      %dma_wait3A_33 = tpu.memref_squeeze %dma_wait3A_32 : memref<1x10000xf32, #tpu.memory_space<hbm>> -> memref<10000xf32, #tpu.memory_space<hbm>>
      tpu.wait_dma2 semaphore(%run_scoped3A_23 : memref<!tpu.dma_semaphore, #tpu.memory_space<semaphore_mem>>) src(%arg5 : memref<10000xf32, #tpu.memory_space<vmem>>) dst(%dma_wait3A_33 : memref<10000xf32, #tpu.memory_space<hbm>>)
      tpu.yield
    }) : () -> ()
    return
  }
}

module attributes {stable_mosaic.version = 14 : i64} {
  func.func @_dense1_body(%arg0: i32, %arg1: memref<2000x128xf32, #tpu.memory_space<vmem>>, %arg2: memref<2000x32xf32, #tpu.memory_space<vmem>>, %arg3: memref<128xf32, #tpu.memory_space<vmem>>, %arg4: memref<128xf32, #tpu.memory_space<vmem>>, %arg5: memref<128x128xf32, #tpu.memory_space<vmem>>, %arg6: memref<128x128xf32, #tpu.memory_space<vmem>>, %arg7: memref<128xf32, #tpu.memory_space<vmem>>, %arg8: memref<2000x128xf32, #tpu.memory_space<vmem>>, %arg9: memref<2000x128xf32, #tpu.memory_space<vmem>>) attributes {dimension_semantics = [#tpu.dimension_semantics<arbitrary>], iteration_bounds = array<i64: 5>, scalar_prefetch = 0 : i64, scratch_operands = 0 : i64, tpu.core_type = #tpu.core_type<tc>, window_params = [{transform_indices = @transform_0, window_bounds = array<i64: 2000, 128>}, {transform_indices = @transform_1, window_bounds = array<i64: 2000, 32>}, {pipeline_mode = #tpu.pipeline_mode<synchronous>, transform_indices = @transform_2, window_bounds = array<i64: 128>}, {pipeline_mode = #tpu.pipeline_mode<synchronous>, transform_indices = @transform_3, window_bounds = array<i64: 128>}, {pipeline_mode = #tpu.pipeline_mode<synchronous>, transform_indices = @transform_4, window_bounds = array<i64: 128, 128>}, {pipeline_mode = #tpu.pipeline_mode<synchronous>, transform_indices = @transform_5, window_bounds = array<i64: 128, 128>}, {pipeline_mode = #tpu.pipeline_mode<synchronous>, transform_indices = @transform_6, window_bounds = array<i64: 128>}, {transform_indices = @transform_7, window_bounds = array<i64: 2000, 128>}, {transform_indices = @transform_8, window_bounds = array<i64: 2000, 128>}]} {
    %get3A = arith.constant 0 : index
    %get3A_0 = arith.constant 0 : index
    %get3A_1 = vector.load %arg1[%get3A, %get3A_0] : memref<2000x128xf32, #tpu.memory_space<vmem>>, vector<2000x128xf32>
    %reduce_sum3A = arith.constant dense<0.000000e+00> : vector<2000xf32>
    %reduce_sum3A_2 = vector.multi_reduction <add>, %get3A_1, %reduce_sum3A [1] : vector<2000x128xf32> to vector<2000xf32>
    %broadcast_in_dim3A = vector.shape_cast %reduce_sum3A_2 : vector<2000xf32> to vector<2000x1xf32>
    %div3A = arith.constant 1.280000e+02 : f32
    %div3A_3 = vector.broadcast %div3A : f32 to vector<2000x1xf32>
    %div3A_4 = arith.divf %broadcast_in_dim3A, %div3A_3 : vector<2000x1xf32>
    %sub3A = vector.broadcast %div3A_4 : vector<2000x1xf32> to vector<2000x128xf32>
    %sub3A_5 = arith.subf %get3A_1, %sub3A : vector<2000x128xf32>
    %mul3A = arith.mulf %sub3A_5, %sub3A_5 : vector<2000x128xf32>
    %reduce_sum3A_6 = arith.constant dense<0.000000e+00> : vector<2000xf32>
    %reduce_sum3A_7 = vector.multi_reduction <add>, %mul3A, %reduce_sum3A_6 [1] : vector<2000x128xf32> to vector<2000xf32>
    %broadcast_in_dim3A_8 = vector.shape_cast %reduce_sum3A_7 : vector<2000xf32> to vector<2000x1xf32>
    %div3A_9 = arith.constant 1.280000e+02 : f32
    %div3A_10 = vector.broadcast %div3A_9 : f32 to vector<2000x1xf32>
    %div3A_11 = arith.divf %broadcast_in_dim3A_8, %div3A_10 : vector<2000x1xf32>
    %add3A = arith.constant 9.99999974E-6 : f32
    %add3A_12 = vector.broadcast %add3A : f32 to vector<2000x1xf32>
    %add3A_13 = arith.addf %div3A_11, %add3A_12 : vector<2000x1xf32>
    %rsqrt3A = math.rsqrt %add3A_13 : vector<2000x1xf32>
    %mul3A_14 = vector.broadcast %rsqrt3A : vector<2000x1xf32> to vector<2000x128xf32>
    %mul3A_15 = arith.mulf %sub3A_5, %mul3A_14 : vector<2000x128xf32>
    %get3A_16 = arith.constant 0 : index
    %get3A_17 = vector.load %arg3[%get3A_16] : memref<128xf32, #tpu.memory_space<vmem>>, vector<128xf32>
    %broadcast_in_dim3A_18 = vector.shape_cast %get3A_17 : vector<128xf32> to vector<1x128xf32>
    %mul3A_19 = vector.broadcast %broadcast_in_dim3A_18 : vector<1x128xf32> to vector<2000x128xf32>
    %mul3A_20 = arith.mulf %mul3A_15, %mul3A_19 : vector<2000x128xf32>
    %get3A_21 = arith.constant 0 : index
    %get3A_22 = vector.load %arg4[%get3A_21] : memref<128xf32, #tpu.memory_space<vmem>>, vector<128xf32>
    %broadcast_in_dim3A_23 = vector.shape_cast %get3A_22 : vector<128xf32> to vector<1x128xf32>
    %add3A_24 = vector.broadcast %broadcast_in_dim3A_23 : vector<1x128xf32> to vector<2000x128xf32>
    %add3A_25 = arith.addf %mul3A_20, %add3A_24 : vector<2000x128xf32>
    %get3A_26 = arith.constant 0 : index
    %get3A_27 = arith.constant 0 : index
    %get3A_28 = vector.load %arg2[%get3A_26, %get3A_27] : memref<2000x32xf32, #tpu.memory_space<vmem>>, vector<2000x32xf32>
    %reduce_sum3A_29 = arith.constant dense<0.000000e+00> : vector<2000xf32>
    %reduce_sum3A_30 = vector.multi_reduction <add>, %get3A_28, %reduce_sum3A_29 [1] : vector<2000x32xf32> to vector<2000xf32>
    %add3A_31 = arith.constant 1.000000e+00 : f32
    %add3A_32 = vector.broadcast %add3A_31 : f32 to vector<2000xf32>
    %add3A_33 = arith.addf %reduce_sum3A_30, %add3A_32 : vector<2000xf32>
    %rsqrt3A_34 = math.rsqrt %add3A_33 : vector<2000xf32>
    %get3A_35 = arith.constant 0 : index
    %get3A_36 = arith.constant 0 : index
    %get3A_37 = vector.load %arg5[%get3A_35, %get3A_36] : memref<128x128xf32, #tpu.memory_space<vmem>>, vector<128x128xf32>
    %dot_general3A = arith.constant dense<0.000000e+00> : vector<2000x128xf32>
    %dot_general3A_38 = tpu.matmul %add3A_25, %get3A_37, %dot_general3A {dimension_numbers = #tpu.dot_dimension_numbers<[1], [0], [0], [1], [0, 0, 1, 1], [], []>, transpose_lhs_hint = false} : vector<2000x128xf32>, vector<128x128xf32>, vector<2000x128xf32> -> vector<2000x128xf32>
    %broadcast_in_dim3A_39 = vector.shape_cast %rsqrt3A_34 : vector<2000xf32> to vector<2000x1xf32>
    %mul3A_40 = vector.broadcast %broadcast_in_dim3A_39 : vector<2000x1xf32> to vector<2000x128xf32>
    %mul3A_41 = arith.mulf %dot_general3A_38, %mul3A_40 : vector<2000x128xf32>
    %swap3A = arith.constant 0 : index
    %swap3A_42 = arith.constant 0 : index
    %swap3A_43 = vector.load %arg8[%swap3A, %swap3A_42] : memref<2000x128xf32, #tpu.memory_space<vmem>>, vector<2000x128xf32>
    tpu.vector_store %arg8[%swap3A, %swap3A_42], %mul3A_41 {strides = array<i32>} : memref<2000x128xf32, #tpu.memory_space<vmem>>, vector<2000x128xf32>,
    %get3A_44 = arith.constant 0 : index
    %get3A_45 = arith.constant 0 : index
    %get3A_46 = vector.load %arg6[%get3A_44, %get3A_45] : memref<128x128xf32, #tpu.memory_space<vmem>>, vector<128x128xf32>
    %dot_general3A_47 = arith.constant dense<0.000000e+00> : vector<2000x128xf32>
    %dot_general3A_48 = tpu.matmul %add3A_25, %get3A_46, %dot_general3A_47 {dimension_numbers = #tpu.dot_dimension_numbers<[1], [0], [0], [1], [0, 0, 1, 1], [], []>, transpose_lhs_hint = false} : vector<2000x128xf32>, vector<128x128xf32>, vector<2000x128xf32> -> vector<2000x128xf32>
    %get3A_49 = arith.constant 0 : index
    %get3A_50 = vector.load %arg7[%get3A_49] : memref<128xf32, #tpu.memory_space<vmem>>, vector<128xf32>
    %broadcast_in_dim3A_51 = vector.shape_cast %get3A_50 : vector<128xf32> to vector<1x128xf32>
    %add3A_52 = vector.broadcast %broadcast_in_dim3A_51 : vector<1x128xf32> to vector<2000x128xf32>
    %add3A_53 = arith.addf %dot_general3A_48, %add3A_52 : vector<2000x128xf32>
    %swap3A_54 = arith.constant 0 : index
    %swap3A_55 = arith.constant 0 : index
    %swap3A_56 = vector.load %arg9[%swap3A_54, %swap3A_55] : memref<2000x128xf32, #tpu.memory_space<vmem>>, vector<2000x128xf32>
    tpu.vector_store %arg9[%swap3A_54, %swap3A_55], %add3A_53 {strides = array<i32>} : memref<2000x128xf32, #tpu.memory_space<vmem>>, vector<2000x128xf32>,
    return
  }
  func.func @transform_0(%arg0: i32) -> (i32, i32) {
    %c0_i32 = arith.constant 0 : i32
    %c0_i32_0 = arith.constant 0 : i32
    return %arg0, %c0_i32 : i32, i32
  }
  func.func @transform_1(%arg0: i32) -> (i32, i32) {
    %c0_i32 = arith.constant 0 : i32
    %c0_i32_0 = arith.constant 0 : i32
    return %arg0, %c0_i32 : i32, i32
  }
  func.func @transform_2(%arg0: i32) -> i32 {
    %c0_i32 = arith.constant 0 : i32
    %c0_i32_0 = arith.constant 0 : i32
    return %c0_i32 : i32
  }
  func.func @transform_3(%arg0: i32) -> i32 {
    %c0_i32 = arith.constant 0 : i32
    %c0_i32_0 = arith.constant 0 : i32
    return %c0_i32 : i32
  }
  func.func @transform_4(%arg0: i32) -> (i32, i32) {
    %c0_i32 = arith.constant 0 : i32
    %c0_i32_0 = arith.constant 0 : i32
    %c0_i32_1 = arith.constant 0 : i32
    return %c0_i32, %c0_i32_0 : i32, i32
  }
  func.func @transform_5(%arg0: i32) -> (i32, i32) {
    %c0_i32 = arith.constant 0 : i32
    %c0_i32_0 = arith.constant 0 : i32
    %c0_i32_1 = arith.constant 0 : i32
    return %c0_i32, %c0_i32_0 : i32, i32
  }
  func.func @transform_6(%arg0: i32) -> i32 {
    %c0_i32 = arith.constant 0 : i32
    %c0_i32_0 = arith.constant 0 : i32
    return %c0_i32 : i32
  }
  func.func @transform_7(%arg0: i32) -> (i32, i32) {
    %c0_i32 = arith.constant 0 : i32
    %c0_i32_0 = arith.constant 0 : i32
    return %arg0, %c0_i32 : i32, i32
  }
  func.func @transform_8(%arg0: i32) -> (i32, i32) {
    %c0_i32 = arith.constant 0 : i32
    %c0_i32_0 = arith.constant 0 : i32
    return %arg0, %c0_i32 : i32, i32
  }
}

module attributes {stable_mosaic.version = 14 : i64} {
  func.func @_dense2_body(%arg0: i32, %arg1: memref<2x2000x128xf32, #tpu.memory_space<vmem>>, %arg2: memref<2000x128xf32, #tpu.memory_space<vmem>>, %arg3: memref<2000x128xf32, #tpu.memory_space<vmem>>, %arg4: memref<2000x32xf32, #tpu.memory_space<vmem>>, %arg5: memref<128xf32, #tpu.memory_space<vmem>>, %arg6: memref<128x128xf32, #tpu.memory_space<vmem>>, %arg7: memref<128xf32, #tpu.memory_space<vmem>>, %arg8: memref<2000x128xf32, #tpu.memory_space<vmem>>) attributes {dimension_semantics = [#tpu.dimension_semantics<arbitrary>], iteration_bounds = array<i64: 5>, scalar_prefetch = 0 : i64, scratch_operands = 0 : i64, tpu.core_type = #tpu.core_type<tc>, window_params = [{transform_indices = @transform_0, window_bounds = array<i64: 2, 2000, 128>}, {transform_indices = @transform_1, window_bounds = array<i64: 2000, 128>}, {transform_indices = @transform_2, window_bounds = array<i64: 2000, 128>}, {transform_indices = @transform_3, window_bounds = array<i64: 2000, 32>}, {pipeline_mode = #tpu.pipeline_mode<synchronous>, transform_indices = @transform_4, window_bounds = array<i64: 128>}, {pipeline_mode = #tpu.pipeline_mode<synchronous>, transform_indices = @transform_5, window_bounds = array<i64: 128, 128>}, {pipeline_mode = #tpu.pipeline_mode<synchronous>, transform_indices = @transform_6, window_bounds = array<i64: 128>}, {transform_indices = @transform_7, window_bounds = array<i64: 2000, 128>}]} {
    %get3A = arith.constant 0 : index
    %get3A_0 = arith.constant 0 : index
    %get3A_1 = vector.load %arg4[%get3A, %get3A_0] : memref<2000x32xf32, #tpu.memory_space<vmem>>, vector<2000x32xf32>
    %reduce_sum3A = arith.constant dense<0.000000e+00> : vector<2000xf32>
    %reduce_sum3A_2 = vector.multi_reduction <add>, %get3A_1, %reduce_sum3A [1] : vector<2000x32xf32> to vector<2000xf32>
    %add3A = arith.constant 1.000000e+00 : f32
    %add3A_3 = vector.broadcast %add3A : f32 to vector<2000xf32>
    %add3A_4 = arith.addf %reduce_sum3A_2, %add3A_3 : vector<2000xf32>
    %rsqrt3A = math.rsqrt %add3A_4 : vector<2000xf32>
    %get3A_5 = arith.constant 0 : index
    %get3A_6 = arith.constant 0 : index
    %get3A_7 = arith.constant 0 : index
    %get3A_8 = vector.load %arg1[%get3A_5, %get3A_6, %get3A_7] : memref<2x2000x128xf32, #tpu.memory_space<vmem>>, vector<1x2000x128xf32>
    %get3A_9 = vector.shape_cast %get3A_8 : vector<1x2000x128xf32> to vector<2000x128xf32>
    %get3A_10 = arith.constant 1 : index
    %get3A_11 = arith.constant 0 : index
    %get3A_12 = arith.constant 0 : index
    %get3A_13 = vector.load %arg1[%get3A_10, %get3A_11, %get3A_12] : memref<2x2000x128xf32, #tpu.memory_space<vmem>>, vector<1x2000x128xf32>
    %get3A_14 = vector.shape_cast %get3A_13 : vector<1x2000x128xf32> to vector<2000x128xf32>
    %add3A_15 = arith.addf %get3A_9, %get3A_14 : vector<2000x128xf32>
    %get3A_16 = arith.constant 0 : index
    %get3A_17 = arith.constant 0 : index
    %get3A_18 = vector.load %arg2[%get3A_16, %get3A_17] : memref<2000x128xf32, #tpu.memory_space<vmem>>, vector<2000x128xf32>
    %add3A_19 = arith.addf %add3A_15, %get3A_18 : vector<2000x128xf32>
    %broadcast_in_dim3A = vector.shape_cast %rsqrt3A : vector<2000xf32> to vector<2000x1xf32>
    %mul3A = vector.broadcast %broadcast_in_dim3A : vector<2000x1xf32> to vector<2000x128xf32>
    %mul3A_20 = arith.mulf %add3A_19, %mul3A : vector<2000x128xf32>
    %get3A_21 = arith.constant 0 : index
    %get3A_22 = vector.load %arg5[%get3A_21] : memref<128xf32, #tpu.memory_space<vmem>>, vector<128xf32>
    %broadcast_in_dim3A_23 = vector.shape_cast %get3A_22 : vector<128xf32> to vector<1x128xf32>
    %add3A_24 = vector.broadcast %broadcast_in_dim3A_23 : vector<1x128xf32> to vector<2000x128xf32>
    %add3A_25 = arith.addf %mul3A_20, %add3A_24 : vector<2000x128xf32>
    %get3A_26 = arith.constant 0 : index
    %get3A_27 = arith.constant 0 : index
    %get3A_28 = vector.load %arg3[%get3A_26, %get3A_27] : memref<2000x128xf32, #tpu.memory_space<vmem>>, vector<2000x128xf32>
    %add3A_29 = arith.addf %add3A_25, %get3A_28 : vector<2000x128xf32>
    %max3A = arith.constant 0.000000e+00 : f32
    %max3A_30 = vector.broadcast %max3A : f32 to vector<2000x128xf32>
    %max3A_31 = arith.maximumf %add3A_29, %max3A_30 : vector<2000x128xf32>
    %get3A_32 = arith.constant 0 : index
    %get3A_33 = arith.constant 0 : index
    %get3A_34 = vector.load %arg6[%get3A_32, %get3A_33] : memref<128x128xf32, #tpu.memory_space<vmem>>, vector<128x128xf32>
    %dot_general3A = arith.constant dense<0.000000e+00> : vector<2000x128xf32>
    %dot_general3A_35 = tpu.matmul %max3A_31, %get3A_34, %dot_general3A {dimension_numbers = #tpu.dot_dimension_numbers<[1], [0], [0], [1], [0, 0, 1, 1], [], []>, transpose_lhs_hint = false} : vector<2000x128xf32>, vector<128x128xf32>, vector<2000x128xf32> -> vector<2000x128xf32>
    %get3A_36 = arith.constant 0 : index
    %get3A_37 = vector.load %arg7[%get3A_36] : memref<128xf32, #tpu.memory_space<vmem>>, vector<128xf32>
    %broadcast_in_dim3A_38 = vector.shape_cast %get3A_37 : vector<128xf32> to vector<1x128xf32>
    %add3A_39 = vector.broadcast %broadcast_in_dim3A_38 : vector<1x128xf32> to vector<2000x128xf32>
    %add3A_40 = arith.addf %dot_general3A_35, %add3A_39 : vector<2000x128xf32>
    %swap3A = arith.constant 0 : index
    %swap3A_41 = arith.constant 0 : index
    %swap3A_42 = vector.load %arg8[%swap3A, %swap3A_41] : memref<2000x128xf32, #tpu.memory_space<vmem>>, vector<2000x128xf32>
    tpu.vector_store %arg8[%swap3A, %swap3A_41], %add3A_40 {strides = array<i32>} : memref<2000x128xf32, #tpu.memory_space<vmem>>, vector<2000x128xf32>,
    return
  }
  func.func @transform_0(%arg0: i32) -> (i32, i32, i32) {
    %c0_i32 = arith.constant 0 : i32
    %c0_i32_0 = arith.constant 0 : i32
    %c0_i32_1 = arith.constant 0 : i32
    return %c0_i32, %arg0, %c0_i32_0 : i32, i32, i32
  }
  func.func @transform_1(%arg0: i32) -> (i32, i32) {
    %c0_i32 = arith.constant 0 : i32
    %c0_i32_0 = arith.constant 0 : i32
    return %arg0, %c0_i32 : i32, i32
  }
  func.func @transform_2(%arg0: i32) -> (i32, i32) {
    %c0_i32 = arith.constant 0 : i32
    %c0_i32_0 = arith.constant 0 : i32
    return %arg0, %c0_i32 : i32, i32
  }
  func.func @transform_3(%arg0: i32) -> (i32, i32) {
    %c0_i32 = arith.constant 0 : i32
    %c0_i32_0 = arith.constant 0 : i32
    return %arg0, %c0_i32 : i32, i32
  }
  func.func @transform_4(%arg0: i32) -> i32 {
    %c0_i32 = arith.constant 0 : i32
    %c0_i32_0 = arith.constant 0 : i32
    return %c0_i32 : i32
  }
  func.func @transform_5(%arg0: i32) -> (i32, i32) {
    %c0_i32 = arith.constant 0 : i32
    %c0_i32_0 = arith.constant 0 : i32
    %c0_i32_1 = arith.constant 0 : i32
    return %c0_i32, %c0_i32_0 : i32, i32
  }
  func.func @transform_6(%arg0: i32) -> i32 {
    %c0_i32 = arith.constant 0 : i32
    %c0_i32_0 = arith.constant 0 : i32
    return %c0_i32 : i32
  }
  func.func @transform_7(%arg0: i32) -> (i32, i32) {
    %c0_i32 = arith.constant 0 : i32
    %c0_i32_0 = arith.constant 0 : i32
    return %arg0, %c0_i32 : i32, i32
  }
}

</mosaic_0001>

<sc_bundles>
// kernel: kernel.6.cloned.1.call-start
scs
__scs_entry_jumppad:
0x0: {  	(pc) =	sbr.rel $0x88, $3  }
0x1: {  	(tag) =	ssettag $0x0;
	lr =	simm.s32 $0x1  }
0x2: {  	[smem:$0x3F97] =	sst lr;
	_ =	strace $0xD0000000  }
0x3: {  	_ = 	snop  }
0x4: {  	_ = 	snop  }
0x5: {  	_ = 	snop  }
0x6: {  	_ = 	snop  }
0x7: {  	_ = 	snop  }
__scs_overlays_trampoline_lowered:
0x8: {  	[smem:$0x3FA6] =	sst s0  }
0x9: {  	[smem:$0x3FA7] =	sst s1  }
0xa: {  	[smem:$0x3FA8] =	sst s2  }
0xb: {  	[smem:$0x3FA9] =	sst s3  }
0xc: {  	[smem:$0x3FAA] =	sst s4  }
0xd: {  	[smem:$0x3FAB] =	sst s5  }
0xe: {  	[smem:$0x3FAC] =	sst s6  }
0xf: {  	[smem:$0x3FAD] =	sst s7  }
0x10: {  	[smem:$0x3FAE] =	sst s8  }
0x11: {  	[smem:$0x3FAF] =	sst s9;
	s0 =	simm.s32 @!p0 $0x0  }
0x12: {  	s1 =	sld [smem:$0x3F95];
	s0 =	simm.s32 @p0 $0x1  }
0x13: {  	[smem:$0x3FB0] =	sst s0;
	s0 =	simm.s32 @!p1 $0x0  }
0x14: {  	s2 =	sld [smem:$0x3F94];
	s0 =	simm.s32 @p1 $0x1  }
0x15: {  	[smem:$0x3FB1] =	sst s0;
	s0 =	simm.s32 @!p2 $0x0  }
0x16: {  	s3 =	sld [smem:$0x3FDB];
	s0 =	simm.s32 @p2 $0x1  }
0x17: {  	s4 =	simm.s32 $0x1BF5;
	[smem:$0x3FB3] =	sst s0  }
0x18: {  	s0 =	sld [smem:$0x3F96];
	_ =	swait.ge [sflag:s4], $0x0  }
0x19: {  	s7 =	sld [smem:$0x3F97]  }
0x1a: {  	s8 =	sadd.s32 $0xFFFFE003, lr  }
0x1b: {  	s9 =	sadd.s32 $0xFFFFFEF7, lr;
	s5 =	simm.s32 $0xFFFFFFFF;
	p2 =	slt.u32 s8, $0xFFFFF086  }
0x1c: {  	p1 =	slt.u32 s9, $0xF7A;
	s5 =	simm.s32 @!p2 $0x0  }
0x1d: {  	s5 =	simm.s32 @p1 $0x1;
	p0 =	seq.s32 s7, s2  }
0x1e: {  	s7 =	smul.u32 @!p0 $0xF7A, s2;
	p2 =	seq.s32 @!p0 s5, $0x0  }
0x1f: {  	s9 =	smul.u32 $0xF7A, s1;
	s8 =	simm.s32 @!p0 $0x1BF5;
	p2 =	por !p2, p0  }
0x20: {  	[sflag:s8] =	ssyncset.s32 @!p0 $0xFFFFF086;
	s6 =	sadd.s32 @!p0 s3, s7;
	s7 =	simm.s32 @!p0 $0x108  }
0x21: {  	s3 =	sadd.s32 s3, s9;
	s6 =	sadd.s32 @!p0 $0x88, s6;
	s7 =	simm.s32 @p2 $0x1082  }
0x22: {  	[simem:s7], [sflag:s8] =	dma.local @!p0 [hbm:s6], $0xF7A  }
0x23: {  	s9 =	sor.u32 $0xD0000000, s2;
	s6 =	simm.s32 $0x108;
	_ =	swait.ge @!p0 [sflag:s8], $0x0  }
0x24: {  	s3 =	sadd.s32 $0x88, s3;
	s6 =	simm.s32 @!p1 $0x1082;
	[sflag:s4] =	ssyncset.s32 $0xFFFFF086  }
0x25: {  	[simem:s6], [sflag:s4] =	dma.local [hbm:s3], $0xF7A  }
0x26: {  	[smem:$0x3F97] =	sst s1;
	(tag) =	ssettag s2;
	_ =	strace s9  }
0x27: {  	s1 =	sld [smem:$0x3FA7]  }
0x28: {  	s2 =	sld [smem:$0x3FA8]  }
0x29: {  	s4 =	sld [smem:$0x3FAA]  }
0x2a: {  	p0 =	seq.s32 s5, $0x0;
	s5 =	sld [smem:$0x3FAB]  }
0x2b: {  	s6 =	sld [smem:$0x3FAC]  }
0x2c: {  	s7 =	sld [smem:$0x3FAD]  }
0x2d: {  	s3 =	simm.s32 $0x108;
	s8 =	sld [smem:$0x3FAE]  }
0x2e: {  	s3 =	simm.s32 @!p0 $0x1082;
	s9 =	sld [smem:$0x3FAF]  }
0x2f: {  	lr =	sadd.s32 s0, s3;
	s0 =	sld [smem:$0x3FA6]  }
0x30: {  	s3 =	sld [smem:$0x3FA9]  }
0x31: {  	[smem:$0x3FB2] =	sst s10  }
0x32: {  	s10 =	sld [smem:$0x3FB0];
	_ =	sdelay $0x3  }
0x33: {  	p0 =	seq.s32 s10, $0x1;
	s10 =	sld [smem:$0x3FB2];
	_ =	sdelay $0x3  }
0x34: {  	[smem:$0x3FB2] =	sst s10  }
0x35: {  	s10 =	sld [smem:$0x3FB1];
	_ =	sdelay $0x3  }
0x36: {  	p1 =	seq.s32 s10, $0x1;
	s10 =	sld [smem:$0x3FB2];
	_ =	sdelay $0x3  }
0x37: {  	[smem:$0x3FB2] =	sst s10  }
0x38: {  	s10 =	sld [smem:$0x3FB3]  }
0x39: {  	_ = 	snop;
	(pc) =	sbr.ind lr, $3  }
0x3a: {  	_ = 	snop  }
0x3b: {  	_ = 	snop  }
0x3c: {  	p2 =	seq.s32 s10, $0x1;
	s10 =	sld [smem:$0x3FB2]  }
0x3d: {  	_ =	shalt  }
0x3e: {  	_ =	shalt  }
0x3f: {  	_ =	shalt  }
0x40: {  	_ =	shalt  }
0x41: {  	_ =	shalt  }
0x42: {  	_ =	shalt  }
0x43: {  	_ =	shalt  }
0x44: {  	_ =	shalt  }
0x45: {  	_ =	shalt  }
0x46: {  	_ =	shalt  }
0x47: {  	_ =	shalt  }
0x48: {  	_ =	shalt  }
0x49: {  	_ =	shalt  }
0x4a: {  	_ =	shalt  }
0x4b: {  	_ =	shalt  }
0x4c: {  	_ =	shalt  }
0x4d: {  	_ =	shalt  }
0x4e: {  	_ =	shalt  }
0x4f: {  	_ =	shalt  }
0x50: {  	_ =	shalt  }
0x51: {  	_ =	shalt  }
0x52: {  	_ =	shalt  }
0x53: {  	_ =	shalt  }
0x54: {  	_ =	shalt  }
0x55: {  	_ =	shalt  }
0x56: {  	_ =	shalt  }
0x57: {  	_ =	shalt  }
0x58: {  	_ =	shalt  }
0x59: {  	_ =	shalt  }
0x5a: {  	_ =	shalt  }
0x5b: {  	_ =	shalt  }
0x5c: {  	_ =	shalt  }
0x5d: {  	_ =	shalt  }
0x5e: {  	_ =	shalt  }
0x5f: {  	_ =	shalt  }
0x60: {  	_ =	shalt  }
0x61: {  	_ =	shalt  }
0x62: {  	_ =	shalt  }
0x63: {  	_ =	shalt  }
0x64: {  	_ =	shalt  }
0x65: {  	_ =	shalt  }
0x66: {  	_ =	shalt  }
0x67: {  	_ =	shalt  }
0x68: {  	_ =	shalt  }
0x69: {  	_ =	shalt  }
0x6a: {  	_ =	shalt  }
0x6b: {  	_ =	shalt  }
0x6c: {  	_ =	shalt  }
0x6d: {  	_ =	shalt  }
0x6e: {  	_ =	shalt  }
0x6f: {  	_ =	shalt  }
0x70: {  	_ =	shalt  }
0x71: {  	_ =	shalt  }
0x72: {  	_ =	shalt  }
0x73: {  	_ =	shalt  }
0x74: {  	_ =	shalt  }
0x75: {  	_ =	shalt  }
0x76: {  	_ =	shalt  }
0x77: {  	_ =	shalt  }
0x78: {  	_ =	shalt  }
0x79: {  	_ =	shalt  }
0x7a: {  	_ =	shalt  }
0x7b: {  	_ =	shalt  }
0x7c: {  	_ =	shalt  }
0x7d: {  	_ =	shalt  }
0x7e: {  	_ =	shalt  }
0x7f: {  	_ =	shalt  }
0x80: {  	_ =	shalt  }
0x81: {  	_ =	shalt  }
0x82: {  	_ =	shalt  }
0x83: {  	_ =	shalt  }
0x84: {  	_ =	shalt  }
0x85: {  	_ =	shalt  }
0x86: {  	_ =	shalt  }
0x87: {  	_ =	shalt  }
.Lfunc_end0:
.L_simem_size_0:
called_computation_lowered:
.L_overlay_start_0:
0x88: {  	s2 =	sld [smem:$0x3FD9]  }
0x89: {  	s3 =	sld [smem:$0x3FFE];
	_ =	sdelay $0x1  }
0x8a: {  	s1 =	srdreg.scid  }
0x8b: {  	s0 =	sand.u32 $0x1, s1  }
0x8c: {  	s17 =	sshll.u32 s0, $0xA;
	s2 =	sadd.s32 s3, s2  }
0x8d: {  	s2 =	sadd.s32 s2, s17  }
0x8e: {  	[smem:$0x3FBE] =	sst s2  }
0x8f: {  	_ = 	snop  }
0x90: {  	s2 =	sld [smem:$0x3FD0];
	(tm) =	ssettm $0x1  }
0x91: {  	s18 =	sld [smem:$0x3FFB];
	_ =	sdelay $0x3  }
0x92: {  	_ =	strace s18  }
0x93: {  	s3 =	sld [smem:$0x3FFC];
	_ =	sdelay $0x3  }
0x94: {  	_ =	strace s3  }
0x95: {  	s3 =	sld [smem:$0x3FFD];
	_ =	sdelay $0x3  }
0x96: {  	_ =	strace s3  }
0x97: {  	_ =	strace $0x8FFFFFFF  }
0x98: {  	s19 =	sld [smem:$0x3FDB];
	_ =	sdelay $0x1  }
0x99: {  	s4 =	simm.s32 $_scs_section_size  }
0x9a: {  	s5 =	simm.s32 $_size__tile_overlayer_lowered;
	s6 =	simm.s32 $_tile_overlayer_lowered  }
0x9b: {  	s22 =	simm.s32 $0x1BFF;
	s21 =	sshll.u32 s6, $0x1;
	s3 =	sadd.s32 s4, s19  }
0x9c: {  	s7 =	simm.s32 $0x0;
	s20 =	sshll.u32 s5, $0x1;
	s5 =	sadd.s32 s21, s3  }
0x9d: {  	[timem:s7], [sflag:s22] =	dma.local [hbm:s5], s20  }
0x9e: {  	_ =	swait.ge [sflag:s22], s20  }
0x9f: {  	s4 =	ssub.s32 $0x0, s20;
	[sflag:s22] =	ssyncset.done $0x0  }
0xa0: {  	[sflag:s22] =	ssyncadd.s32 s4;
	_ =	sdelay $0x1  }
0xa1: {  	s23 =	simm.s32 $0x1B8B  }
0xa2: {  	_ =	swait.ge [sflag:s23], $0x1  }
0xa3: {  	[sflag:s23] =	ssyncset.done $0x0  }
0xa4: {  	s25 =	simm.s32 $0x1B8E;
	s24 =	sld [smem:$0x3FFE];
	[sflag:s23] =	ssyncadd.s32 $0xFFFFFFFF  }
0xa5: {  	s26 =	simm.s32 $execute0_lowered;
	[smem:$0x3FD2] =	sst s25  }
0xa6: {  	s5 =	sshll.u32 s26, $0x1;
	_ =	strace $0x80000046;
	[dreg:$0x1] =	wrdreg $0xFFFFFFFF  }
0xa7: {  	s28 =	simm.s32 $_size_execute0_lowered;
	s3 =	sadd.s32 s3, s5;
	[dreg:$0x0] =	wrdreg $0x0  }
0xa8: {  	s5 =	sshll.u32 s28, $0x1;
	[dreg:$0x2] =	wrdreg s3  }
0xa9: {  	[dreg:$0x3] =	wrdreg s5  }
0xaa: {  	[dreg:$0x4] =	wrdreg $0xC0  }
0xab: {  	_ =	task [dreg:s7], $0x5FFFF  }
0xac: {  	[dreg:$0x1] =	wrdreg $0xFFFFFFFF  }
0xad: {  	[dreg:$0x0] =	wrdreg $0x60  }
0xae: {  	[dreg:$0x2] =	wrdreg s2  }
0xaf: {  	[dreg:$0x3] =	wrdreg s24  }
0xb0: {  	[dreg:$0x4] =	wrdreg $0x9  }
0xb1: {  	_ =	task.clear_ibuf [dreg:s7], $0x5FFFF;
	_ =	strace $0x90000046  }
0xb2: {  	s29 =	simm.s32 $0x9;
	_ =	strace $0x80000048  }
0xb3: {  	_ =	swait.ge [sflag:s29], $0x1  }
0xb4: {  	[sflag:s29] =	ssyncadd.s32 $0xFFFFFFFF  }
0xb5: {  	_ =	strace $0x90000048  }
0xb6: {  	_ =	sfence  }
0xb7: {  	s30 =	sld [smem:$0x0];
	_ =	sdelay $0x2  }
0xb8: {  	s31 =	sshll.u32 s1, $0xD;
	s1 =	sshrl.u32 s1, $0x2  }
0xb9: {  	s3 =	sand.u32 $0x4000, s31;
	s1 =	sadd.s32 s1, s30  }
0xba: {  	s0 =	sor.u32 s3, s0;
	s1 =	sshll.u32 s1, $0x11  }
0xbb: {  	s0 =	sor.u32 s1, s0  }
0xbc: {  	s0 =	sadd.s32 $0x8F2B, s0  }
0xbd: {  	[sflag:s0] =	ssyncadd.remote.s32 $0x1  }
0xbe: {  	_ =	sfence.sel $0xFFFF  }
0xbf: {  	[dreg:$0x0] =	wrdreg $0xFFFFFFFF;
	(pc) =	sbr.abs _section_cstart, $3  }
0xc0: {  	[dreg:$0x1] =	wrdreg $0xFFFFFFFF  }
0xc1: {  	_ =	task.clear_ibuf [dreg:s7], $0x2FFFF;
	_ =	strace $0x9FFFFFFF  }
0xc2: {  	(tm) =	ssettm $0x7FFFFFFF  }
0xc3: {  	_ =	shalt  }
tec
execute0_lowered:
.L_overlay_start_1:
0x0: {  	(tag) =	ssettag $0x1  }
0x1: {  	s0 =	srdreg.scid  }
0x2: {  	s4 =	sand.u32 $0x1, s0  }
0x3: {  	s3 =	rddreg [dreg:$0x0];
	s1 =	stileid.u32;
	s6 =	sshll.u32 s4, $0x4  }
0x4: {  	s5 =	rddreg [dreg:$0x1];
	s2 =	simm.s32 $0x0;
	s6 =	sor.u32 s1, s6  }
0x5: {  	s0 =	rddreg [dreg:$0x2];
	s4 =	ssub.s32 $0x2, s4;
	s6 =	smul.u32 $0x4E2, s6  }
0x6: {  	s8 =	simm.s32 $0x0;
	[smem:$0x7FF] =	sst s2;
	s7 =	sshrl.u32 s4, $0x1  }
0x7: {  	_ =	strace $0x80000047;
	s7 =	ssub.s32 s4, s7;
	s3 =	sadd.s32 s6, s3  }
0x8: {  	s5 =	sadd.s32 s6, s5;
	s6 =	simm.s32 $0x1;
	s3 =	sadd.s32 $0x9C40, s3  }
0x9: {  	v0 =	vimm.f32 $0.0e+00;
	v1 =	vimm.f32 $1.000000000e+00;
	s4 =	sadd.s32 $0x2E00, s5;
	s5 =	smax.u32 s7, $0x1;
	s7 =	simm.s32 $0x2710  }
.LBB2_1:
0xa: {  	[tilespmem:s2], [sflag:$0x1] =	stream.linear.gather [hbm4b:s3+s2], $0x2710, $0x38;
	[tilespmem:$0x4E20] =	vst v63  }
0xb: {  	_ =	swait.ge [sflag:s6], $0x2710  }
0xc: {  	[sflag:s6] =	ssyncset.done $0x0  }
0xd: {  	s9 =	simm.s32 $0x0;
	[sflag:s6] =	ssyncadd.s32 $0xFFFFD8F0  }
.LBB2_2:
0xe: {  	p0 =	sne.s32 s9, $0x9C00  }
.Ltmp0:
0xf: {  	_ = 	snop;
	(pc) =	sbr.rel @p0 .LBB2_2-.Ltmp0, $3  }
0x10: {  	_ =	sdelay $0x1  }
0x11: {  	s10 =	sshra.s32 s9, $0x2  }
0x12: {  	s9 =	sadd.s32 $0x40, s9;
	[tilespmem:s10+$0x2710] =	vst v0  }
0x13: {  	s9 =	simm.s32 $0xFFFFFFFC;
	s10 =	simm.s32 $0x20  }
.LBB2_4:
0x14: {  	v2 =	vld [tilespmem:s10+$0xFFFFFFE0];
	_ =	sdelay $0x7  }
0x15: {  	[tilespmem:v2+s7+$0x0] =	vst.idx.add.f32.msk $0xffff, v1  }
0x16: {  	v2 =	vld [tilespmem:s10+$0xFFFFFFF0];
	_ =	sdelay $0x7  }
0x17: {  	[tilespmem:v2+s7+$0x0] =	vst.idx.add.f32.msk $0xffff, v1  }
0x18: {  	v2 =	vld [tilespmem:s10+$0x0];
	_ =	sdelay $0x7  }
0x19: {  	[tilespmem:v2+s7+$0x0] =	vst.idx.add.f32.msk $0xffff, v1  }
0x1a: {  	v2 =	vld [tilespmem:s10+$0x10];
	_ =	sdelay $0x1  }
0x1b: {  	s9 =	sadd.s32 $0x4, s9  }
0x1c: {  	p0 =	slt.u32 s9, $0x26C  }
.Ltmp1:
0x1d: {  	_ = 	snop;
	(pc) =	sbr.rel @p0 .LBB2_4-.Ltmp1, $2  }
0x1e: {  	_ =	sdelay $0x2  }
0x1f: {  	s10 =	sadd.s32 $0x40, s10;
	[tilespmem:v2+s7+$0x0] =	vst.idx.add.f32.msk $0xffff, v1  }
0x20: {  	v2 =	vld [tilespmem:$0x2700];
	_ =	sdelay $0x5  }
0x21: {  	s8 =	sadd.s32 $0x1, s8  }
0x22: {  	p0 =	sne.s32 s8, s5  }
.Ltmp2:
0x23: {  	[tilespmem:v2+s7+$0x0] =	vst.idx.add.f32.msk $0xffff, v1;
	(pc) =	sbr.rel @p0 .LBB2_1-.Ltmp2, $4  }
0x24: {  	[hbm4b:s4+s2] =	stream.linear.scatter [tilespmem:s7], [sflag:$0x1], $0x2710, $0x38;
	[tilespmem:$0x4E20] =	vst v63  }
0x25: {  	_ =	swait.ge [sflag:s6], $0x2710  }
0x26: {  	[sflag:s6] =	ssyncset.done $0x0  }
0x27: {  	[sflag:s6] =	ssyncadd.s32 $0xFFFFD8F0  }
0x28: {  	_ =	sfence.sel $0x180000  }
0x29: {  	[bflag:$0x0] =	sbarrier.arrive $0xFFFF  }
0x2a: {  	p0 =	sne.s32 s1, $0x0;
	_ =	strace $0x90000047  }
0x2b: {  	s0 =	sadd.s32 @!p0 $0x100000, s0;
	[bflag:$0x2] =	sbarrier.arrive $0xFFFF  }
0x2c: {  	[sflag:s0] =	ssyncadd.tile.s32 @!p0 $0x1;
	_ =	shalt  }
.Lfunc_end2:
_tile_overlayer_lowered:
.L_overlay_start_2:
0x2d: {  	(tag) =	ssettag $0x2  }
0x2e: {  	s0 =	rddreg [dreg:$0x0];
	s2 =	stileid.u32  }
0x2f: {  	s1 =	rddreg [dreg:$0x1];
	p0 =	sne.s32 s2, $0x0  }
0x30: {  	s3 =	rddreg [dreg:$0x2];
	[bflag:$0x3] =	sbarrier.arrive $0xFFFF;
	s2 =	simm.s32 @!p0 $0x1C01  }
0x31: {  	[timem:s3], [sflag:s2] =	dma.local @!p0 [hbm:s0], s1  }
0x32: {  	s0 =	simm.s32 @!p0 $0x1  }
0x33: {  	_ =	swait.ge @!p0 [sflag:s0], s1  }
0x34: {  	s1 =	ssub.s32 @!p0 $0x0, s1;
	[sflag:s0] =	ssyncset.done @!p0 $0x0  }
0x35: {  	[sflag:s0] =	ssyncadd.s32 @!p0 s1  }
0x36: {  	[bflag:$0x3] =	sbarrier.arrive $0xFFFF  }
0x37: {  	_ =	shalt  }

// kernel: kernel.9.cloned.1.call-start
scs
__scs_entry_jumppad:
0x0: {  	(pc) =	sbr.rel $0x88, $3  }
0x1: {  	(tag) =	ssettag $0x0;
	lr =	simm.s32 $0x1  }
0x2: {  	[smem:$0x3F97] =	sst lr;
	_ =	strace $0xD0000000  }
0x3: {  	_ = 	snop  }
0x4: {  	_ = 	snop  }
0x5: {  	_ = 	snop  }
0x6: {  	_ = 	snop  }
0x7: {  	_ = 	snop  }
__scs_overlays_trampoline_lowered:
0x8: {  	[smem:$0x3FA6] =	sst s0  }
0x9: {  	[smem:$0x3FA7] =	sst s1  }
0xa: {  	[smem:$0x3FA8] =	sst s2  }
0xb: {  	[smem:$0x3FA9] =	sst s3  }
0xc: {  	[smem:$0x3FAA] =	sst s4  }
0xd: {  	[smem:$0x3FAB] =	sst s5  }
0xe: {  	[smem:$0x3FAC] =	sst s6  }
0xf: {  	[smem:$0x3FAD] =	sst s7  }
0x10: {  	[smem:$0x3FAE] =	sst s8  }
0x11: {  	[smem:$0x3FAF] =	sst s9;
	s0 =	simm.s32 @!p0 $0x0  }
0x12: {  	s1 =	sld [smem:$0x3F95];
	s0 =	simm.s32 @p0 $0x1  }
0x13: {  	[smem:$0x3FB0] =	sst s0;
	s0 =	simm.s32 @!p1 $0x0  }
0x14: {  	s2 =	sld [smem:$0x3F94];
	s0 =	simm.s32 @p1 $0x1  }
0x15: {  	[smem:$0x3FB1] =	sst s0;
	s0 =	simm.s32 @!p2 $0x0  }
0x16: {  	s3 =	sld [smem:$0x3FDB];
	s0 =	simm.s32 @p2 $0x1  }
0x17: {  	s4 =	simm.s32 $0x1BF5;
	[smem:$0x3FB3] =	sst s0  }
0x18: {  	s0 =	sld [smem:$0x3F96];
	_ =	swait.ge [sflag:s4], $0x0  }
0x19: {  	s7 =	sld [smem:$0x3F97]  }
0x1a: {  	s8 =	sadd.s32 $0xFFFFE003, lr  }
0x1b: {  	s9 =	sadd.s32 $0xFFFFFEF7, lr;
	s5 =	simm.s32 $0xFFFFFFFF;
	p2 =	slt.u32 s8, $0xFFFFF086  }
0x1c: {  	p1 =	slt.u32 s9, $0xF7A;
	s5 =	simm.s32 @!p2 $0x0  }
0x1d: {  	s5 =	simm.s32 @p1 $0x1;
	p0 =	seq.s32 s7, s2  }
0x1e: {  	s7 =	smul.u32 @!p0 $0xF7A, s2;
	p2 =	seq.s32 @!p0 s5, $0x0  }
0x1f: {  	s9 =	smul.u32 $0xF7A, s1;
	s8 =	simm.s32 @!p0 $0x1BF5;
	p2 =	por !p2, p0  }
0x20: {  	[sflag:s8] =	ssyncset.s32 @!p0 $0xFFFFF086;
	s6 =	sadd.s32 @!p0 s3, s7;
	s7 =	simm.s32 @!p0 $0x108  }
0x21: {  	s3 =	sadd.s32 s3, s9;
	s6 =	sadd.s32 @!p0 $0x88, s6;
	s7 =	simm.s32 @p2 $0x1082  }
0x22: {  	[simem:s7], [sflag:s8] =	dma.local @!p0 [hbm:s6], $0xF7A  }
0x23: {  	s9 =	sor.u32 $0xD0000000, s2;
	s6 =	simm.s32 $0x108;
	_ =	swait.ge @!p0 [sflag:s8], $0x0  }
0x24: {  	s3 =	sadd.s32 $0x88, s3;
	s6 =	simm.s32 @!p1 $0x1082;
	[sflag:s4] =	ssyncset.s32 $0xFFFFF086  }
0x25: {  	[simem:s6], [sflag:s4] =	dma.local [hbm:s3], $0xF7A  }
0x26: {  	[smem:$0x3F97] =	sst s1;
	(tag) =	ssettag s2;
	_ =	strace s9  }
0x27: {  	s1 =	sld [smem:$0x3FA7]  }
0x28: {  	s2 =	sld [smem:$0x3FA8]  }
0x29: {  	s4 =	sld [smem:$0x3FAA]  }
0x2a: {  	p0 =	seq.s32 s5, $0x0;
	s5 =	sld [smem:$0x3FAB]  }
0x2b: {  	s6 =	sld [smem:$0x3FAC]  }
0x2c: {  	s7 =	sld [smem:$0x3FAD]  }
0x2d: {  	s3 =	simm.s32 $0x108;
	s8 =	sld [smem:$0x3FAE]  }
0x2e: {  	s3 =	simm.s32 @!p0 $0x1082;
	s9 =	sld [smem:$0x3FAF]  }
0x2f: {  	lr =	sadd.s32 s0, s3;
	s0 =	sld [smem:$0x3FA6]  }
0x30: {  	s3 =	sld [smem:$0x3FA9]  }
0x31: {  	[smem:$0x3FB2] =	sst s10  }
0x32: {  	s10 =	sld [smem:$0x3FB0];
	_ =	sdelay $0x3  }
0x33: {  	p0 =	seq.s32 s10, $0x1;
	s10 =	sld [smem:$0x3FB2];
	_ =	sdelay $0x3  }
0x34: {  	[smem:$0x3FB2] =	sst s10  }
0x35: {  	s10 =	sld [smem:$0x3FB1];
	_ =	sdelay $0x3  }
0x36: {  	p1 =	seq.s32 s10, $0x1;
	s10 =	sld [smem:$0x3FB2];
	_ =	sdelay $0x3  }
0x37: {  	[smem:$0x3FB2] =	sst s10  }
0x38: {  	s10 =	sld [smem:$0x3FB3]  }
0x39: {  	_ = 	snop;
	(pc) =	sbr.ind lr, $3  }
0x3a: {  	_ = 	snop  }
0x3b: {  	_ = 	snop  }
0x3c: {  	p2 =	seq.s32 s10, $0x1;
	s10 =	sld [smem:$0x3FB2]  }
0x3d: {  	_ =	shalt  }
0x3e: {  	_ =	shalt  }
0x3f: {  	_ =	shalt  }
0x40: {  	_ =	shalt  }
0x41: {  	_ =	shalt  }
0x42: {  	_ =	shalt  }
0x43: {  	_ =	shalt  }
0x44: {  	_ =	shalt  }
0x45: {  	_ =	shalt  }
0x46: {  	_ =	shalt  }
0x47: {  	_ =	shalt  }
0x48: {  	_ =	shalt  }
0x49: {  	_ =	shalt  }
0x4a: {  	_ =	shalt  }
0x4b: {  	_ =	shalt  }
0x4c: {  	_ =	shalt  }
0x4d: {  	_ =	shalt  }
0x4e: {  	_ =	shalt  }
0x4f: {  	_ =	shalt  }
0x50: {  	_ =	shalt  }
0x51: {  	_ =	shalt  }
0x52: {  	_ =	shalt  }
0x53: {  	_ =	shalt  }
0x54: {  	_ =	shalt  }
0x55: {  	_ =	shalt  }
0x56: {  	_ =	shalt  }
0x57: {  	_ =	shalt  }
0x58: {  	_ =	shalt  }
0x59: {  	_ =	shalt  }
0x5a: {  	_ =	shalt  }
0x5b: {  	_ =	shalt  }
0x5c: {  	_ =	shalt  }
0x5d: {  	_ =	shalt  }
0x5e: {  	_ =	shalt  }
0x5f: {  	_ =	shalt  }
0x60: {  	_ =	shalt  }
0x61: {  	_ =	shalt  }
0x62: {  	_ =	shalt  }
0x63: {  	_ =	shalt  }
0x64: {  	_ =	shalt  }
0x65: {  	_ =	shalt  }
0x66: {  	_ =	shalt  }
0x67: {  	_ =	shalt  }
0x68: {  	_ =	shalt  }
0x69: {  	_ =	shalt  }
0x6a: {  	_ =	shalt  }
0x6b: {  	_ =	shalt  }
0x6c: {  	_ =	shalt  }
0x6d: {  	_ =	shalt  }
0x6e: {  	_ =	shalt  }
0x6f: {  	_ =	shalt  }
0x70: {  	_ =	shalt  }
0x71: {  	_ =	shalt  }
0x72: {  	_ =	shalt  }
0x73: {  	_ =	shalt  }
0x74: {  	_ =	shalt  }
0x75: {  	_ =	shalt  }
0x76: {  	_ =	shalt  }
0x77: {  	_ =	shalt  }
0x78: {  	_ =	shalt  }
0x79: {  	_ =	shalt  }
0x7a: {  	_ =	shalt  }
0x7b: {  	_ =	shalt  }
0x7c: {  	_ =	shalt  }
0x7d: {  	_ =	shalt  }
0x7e: {  	_ =	shalt  }
0x7f: {  	_ =	shalt  }
0x80: {  	_ =	shalt  }
0x81: {  	_ =	shalt  }
0x82: {  	_ =	shalt  }
0x83: {  	_ =	shalt  }
0x84: {  	_ =	shalt  }
0x85: {  	_ =	shalt  }
0x86: {  	_ =	shalt  }
0x87: {  	_ =	shalt  }
.Lfunc_end0:
.L_simem_size_0:
called_computation.1_lowered:
.L_overlay_start_0:
0x88: {  	s2 =	sld [smem:$0x3FD9]  }
0x89: {  	s3 =	sld [smem:$0x3FFE];
	_ =	sdelay $0x1  }
0x8a: {  	s1 =	srdreg.scid  }
0x8b: {  	s0 =	sand.u32 $0x1, s1  }
0x8c: {  	s17 =	sshll.u32 s0, $0xA;
	s2 =	sadd.s32 s3, s2  }
0x8d: {  	s2 =	sadd.s32 s2, s17  }
0x8e: {  	[smem:$0x3FBE] =	sst s2  }
0x8f: {  	_ = 	snop  }
0x90: {  	s2 =	sld [smem:$0x3FD0];
	(tm) =	ssettm $0x1  }
0x91: {  	s18 =	sld [smem:$0x3FFB];
	_ =	sdelay $0x3  }
0x92: {  	_ =	strace s18  }
0x93: {  	s3 =	sld [smem:$0x3FFC];
	_ =	sdelay $0x3  }
0x94: {  	_ =	strace s3  }
0x95: {  	s3 =	sld [smem:$0x3FFD];
	_ =	sdelay $0x3  }
0x96: {  	_ =	strace s3  }
0x97: {  	_ =	strace $0x8FFFFFFF  }
0x98: {  	s19 =	sld [smem:$0x3FDB];
	_ =	sdelay $0x1  }
0x99: {  	s4 =	simm.s32 $_scs_section_size  }
0x9a: {  	s5 =	simm.s32 $_size__tile_overlayer_lowered;
	s6 =	simm.s32 $_tile_overlayer_lowered  }
0x9b: {  	s22 =	simm.s32 $0x1BFF;
	s21 =	sshll.u32 s6, $0x1;
	s3 =	sadd.s32 s4, s19  }
0x9c: {  	s7 =	simm.s32 $0x0;
	s20 =	sshll.u32 s5, $0x1;
	s5 =	sadd.s32 s21, s3  }
0x9d: {  	[timem:s7], [sflag:s22] =	dma.local [hbm:s5], s20  }
0x9e: {  	_ =	swait.ge [sflag:s22], s20  }
0x9f: {  	s4 =	ssub.s32 $0x0, s20;
	[sflag:s22] =	ssyncset.done $0x0  }
0xa0: {  	[sflag:s22] =	ssyncadd.s32 s4;
	_ =	sdelay $0x1  }
0xa1: {  	s23 =	simm.s32 $0x1B8B  }
0xa2: {  	_ =	swait.ge [sflag:s23], $0x1  }
0xa3: {  	[sflag:s23] =	ssyncset.done $0x0  }
0xa4: {  	s25 =	simm.s32 $0x1B8E;
	s24 =	sld [smem:$0x3FFE];
	[sflag:s23] =	ssyncadd.s32 $0xFFFFFFFF  }
0xa5: {  	s26 =	simm.s32 $execute0_lowered;
	[smem:$0x3FD2] =	sst s25  }
0xa6: {  	s5 =	sshll.u32 s26, $0x1;
	_ =	strace $0x80000049;
	[dreg:$0x1] =	wrdreg $0xFFFFFFFF  }
0xa7: {  	s28 =	simm.s32 $_size_execute0_lowered;
	s3 =	sadd.s32 s3, s5;
	[dreg:$0x0] =	wrdreg $0x0  }
0xa8: {  	s5 =	sshll.u32 s28, $0x1;
	[dreg:$0x2] =	wrdreg s3  }
0xa9: {  	[dreg:$0x3] =	wrdreg s5  }
0xaa: {  	[dreg:$0x4] =	wrdreg $0xC0  }
0xab: {  	_ =	task [dreg:s7], $0x5FFFF  }
0xac: {  	[dreg:$0x1] =	wrdreg $0xFFFFFFFF  }
0xad: {  	[dreg:$0x0] =	wrdreg $0x60  }
0xae: {  	[dreg:$0x2] =	wrdreg s2  }
0xaf: {  	[dreg:$0x3] =	wrdreg s24  }
0xb0: {  	[dreg:$0x4] =	wrdreg $0xB5400  }
0xb1: {  	[dreg:$0x5] =	wrdreg $0x9  }
0xb2: {  	_ =	task.clear_ibuf [dreg:s7], $0x6FFFF;
	_ =	strace $0x90000049  }
0xb3: {  	s29 =	simm.s32 $0x9;
	_ =	strace $0x8000004B  }
0xb4: {  	_ =	swait.ge [sflag:s29], $0x1  }
0xb5: {  	[sflag:s29] =	ssyncadd.s32 $0xFFFFFFFF  }
0xb6: {  	_ =	strace $0x9000004B  }
0xb7: {  	_ =	sfence  }
0xb8: {  	s30 =	sld [smem:$0x0];
	_ =	sdelay $0x2  }
0xb9: {  	s31 =	sshll.u32 s1, $0xD;
	s1 =	sshrl.u32 s1, $0x2  }
0xba: {  	s3 =	sand.u32 $0x4000, s31;
	s1 =	sadd.s32 s1, s30  }
0xbb: {  	s0 =	sor.u32 s3, s0;
	s1 =	sshll.u32 s1, $0x11  }
0xbc: {  	s0 =	sor.u32 s1, s0  }
0xbd: {  	s0 =	sadd.s32 $0x8F2B, s0  }
0xbe: {  	[sflag:s0] =	ssyncadd.remote.s32 $0x1  }
0xbf: {  	_ =	sfence.sel $0xFFFF  }
0xc0: {  	[dreg:$0x0] =	wrdreg $0xFFFFFFFF;
	(pc) =	sbr.abs _section_cstart, $3  }
0xc1: {  	[dreg:$0x1] =	wrdreg $0xFFFFFFFF  }
0xc2: {  	_ =	task.clear_ibuf [dreg:s7], $0x2FFFF;
	_ =	strace $0x9FFFFFFF  }
0xc3: {  	(tm) =	ssettm $0x7FFFFFFF  }
tec
execute0_lowered:
.L_overlay_start_1:
0x0: {  	(tag) =	ssettag $0x1  }
0x1: {  	s1 =	rddreg [dreg:$0x0]  }
0x2: {  	s0 =	srdreg.scid;
	s6 =	rddreg [dreg:$0x1]  }
0x3: {  	s3 =	rddreg [dreg:$0x2];
	s4 =	simm.s32 $0x0;
	s18 =	simm.s32 $0x5140  }
0x4: {  	s19 =	simm.s32 $0x8340;
	s20 =	simm.s32 $0x68;
	s21 =	simm.s32 $0x1  }
0x5: {  	s22 =	simm.s32 $0x2;
	s23 =	simm.s32 $0x5070;
	s5 =	sand.u32 $0x1, s0  }
0x6: {  	s26 =	simm.s32 $0x0;
	s0 =	stileid.u32;
	s30 =	smul.u32 $0x27100, s5  }
0x7: {  	[smem:$0x7FF] =	sst s4;
	s17 =	sadd.s32 $0x16E80, s6;
	s8 =	smul.u32 $0x4E200, s0  }
0x8: {  	s2 =	sshll.u32 s5, $0x4;
	s5 =	ssub.s32 $0x2, s5;
	s14 =	smul.u32 $0x13880, s0  }
0x9: {  	s7 =	sor.u32 s0, s2;
	s2 =	rddreg [dreg:$0x3];
	_ =	strace $0x8000004A  }
0xa: {  	s31 =	sshrl.u32 s5, $0x1;
	s15 =	smul.u32 $0x514, s7;
	s13 =	sadd.s32 s30, s6  }
0xb: {  	s8 =	sshrl.u32 s8, $0x2;
	s16 =	ssub.s32 s5, s31;
	s25 =	sshrl.u32 s14, $0x3  }
0xc: {  	s12 =	sadd.s32 s8, s3;
	s24 =	sadd.s32 $0x21200, s13;
	s13 =	smax.u32 s16, $0x1  }
0xd: {  	s16 =	simm.s32 $0x28A0;
	s9 =	sadd.s32 s15, s6;
	s6 =	sadd.s32 s14, s3  }
0xe: {  	s7 =	sadd.s32 $0x3200, s12;
	s8 =	sadd.s32 $0x6400, s12;
	s10 =	sadd.s32 $0xC800, s12  }
0xf: {  	s11 =	sadd.s32 $0xFA00, s12;
	s14 =	simm.s32 $0x3;
	s15 =	sadd.s32 s15, s17  }
0x10: {  	s17 =	simm.s32 $0x64;
	s24 =	sadd.s32 s25, s24;
	s25 =	simm.s32 $0x50D8  }
0x11: {  	v0 =	vimm.f32 $0.0e+00;
	s5 =	sadd.s32 $0xCC00, s9;
	s9 =	sadd.s32 $0x9600, s12;
	s12 =	sadd.s32 $0x12C00, s12  }
.LBB2_1:
0x12: {  	[tilespmem:s4], [sflag:$0x3] =	stream.linear.gather [hbm4b:s5+s4], $0x28A0, $0x38;
	[tilespmem:$0x1EDC0] =	vst v63  }
0x13: {  	_ =	swait.ge [sflag:s14], $0x28A0  }
0x14: {  	[sflag:s14] =	ssyncset.done $0x0  }
0x15: {  	[sflag:s14] =	ssyncadd.s32 $0xFFFFD760  }
0x16: {  	[tilespmem:s16], [sflag:$0x3] =	stream.linear.gather [hbm4b:s15+s4], $0x28A0, $0x38;
	[tilespmem:$0x1EDC0] =	vst v63  }
0x17: {  	_ =	swait.ge [sflag:s14], $0x28A0  }
0x18: {  	[sflag:s14] =	ssyncset.done $0x0  }
0x19: {  	s28 =	simm.s32 $0x0;
	s29 =	simm.s32 $0x200;
	[sflag:s14] =	ssyncadd.s32 $0xFFFFD760  }
0x1a: {  	[tilespmem:s18], [sflag:$0x1] =	stream.indirect.gather [hbm4b:s1+s17], $0x80, s4, s17, $0xb8;
	[tilespmem:$0x1EDC0] =	vst v63  }
.LBB2_2:
0x1b: {  	p0 =	sne.s32 s29, $0xC600;
	[tilespmem:s28+$0x83B0] =	vst v0  }
0x1c: {  	[tilespmem:s28+$0x8340] =	vst v0  }
0x1d: {  	[tilespmem:s28+$0x8350] =	vst v0  }
.Ltmp0:
0x1e: {  	[tilespmem:s28+$0x8360] =	vst v0;
	(pc) =	sbr.rel @p0 .LBB2_2-.Ltmp0, $4  }
0x1f: {  	[tilespmem:s28+$0x8370] =	vst v0  }
0x20: {  	[tilespmem:s28+$0x8380] =	vst v0  }
0x21: {  	[tilespmem:s28+$0x8390] =	vst v0  }
0x22: {  	[tilespmem:s28+$0x83A0] =	vst v0;
	s28 =	sshra.s32 s29, $0x2;
	s29 =	sadd.s32 $0x200, s29  }
0x23: {  	[tilespmem:s28+$0x83B0] =	vst v0  }
0x24: {  	[tilespmem:s28+$0x8340] =	vst v0  }
0x25: {  	[tilespmem:s28+$0x8350] =	vst v0  }
0x26: {  	[tilespmem:s28+$0x8360] =	vst v0  }
0x27: {  	[tilespmem:s28+$0x8370] =	vst v0  }
0x28: {  	[tilespmem:s28+$0x8380] =	vst v0  }
0x29: {  	[tilespmem:s28+$0x8390] =	vst v0  }
0x2a: {  	[tilespmem:s28+$0x83A0] =	vst v0  }
0x2b: {  	[spmem:s6] =	stream.linear.scatter [tilespmem:s19], [sflag:$0x3], $0x3200, $0x38;
	[tilespmem:$0x1EDC0] =	vst v63  }
0x2c: {  	_ =	swait.ge [sflag:s14], $0x3200  }
0x2d: {  	[sflag:s14] =	ssyncset.done $0x0  }
0x2e: {  	[sflag:s14] =	ssyncadd.s32 $0xFFFFCE00  }
0x2f: {  	[spmem:s7] =	stream.linear.scatter [tilespmem:s19], [sflag:$0x3], $0x3200, $0x38;
	[tilespmem:$0x1EDC0] =	vst v63  }
0x30: {  	_ =	swait.ge [sflag:s14], $0x3200  }
0x31: {  	[sflag:s14] =	ssyncset.done $0x0  }
0x32: {  	[sflag:s14] =	ssyncadd.s32 $0xFFFFCE00  }
0x33: {  	[spmem:s8] =	stream.linear.scatter [tilespmem:s19], [sflag:$0x3], $0x3200, $0x38;
	[tilespmem:$0x1EDC0] =	vst v63  }
0x34: {  	_ =	swait.ge [sflag:s14], $0x3200  }
0x35: {  	[sflag:s14] =	ssyncset.done $0x0  }
0x36: {  	[sflag:s14] =	ssyncadd.s32 $0xFFFFCE00  }
0x37: {  	[spmem:s9] =	stream.linear.scatter [tilespmem:s19], [sflag:$0x3], $0x3200, $0x38;
	[tilespmem:$0x1EDC0] =	vst v63  }
0x38: {  	_ =	swait.ge [sflag:s14], $0x3200  }
0x39: {  	[sflag:s14] =	ssyncset.done $0x0  }
0x3a: {  	[sflag:s14] =	ssyncadd.s32 $0xFFFFCE00  }
0x3b: {  	[spmem:s10] =	stream.linear.scatter [tilespmem:s19], [sflag:$0x3], $0x3200, $0x38;
	[tilespmem:$0x1EDC0] =	vst v63  }
0x3c: {  	_ =	swait.ge [sflag:s14], $0x3200  }
0x3d: {  	[sflag:s14] =	ssyncset.done $0x0  }
0x3e: {  	[sflag:s14] =	ssyncadd.s32 $0xFFFFCE00  }
0x3f: {  	[spmem:s11] =	stream.linear.scatter [tilespmem:s19], [sflag:$0x3], $0x3200, $0x38;
	[tilespmem:$0x1EDC0] =	vst v63  }
0x40: {  	_ =	swait.ge [sflag:s14], $0x3200  }
0x41: {  	[sflag:s14] =	ssyncset.done $0x0  }
0x42: {  	[sflag:s14] =	ssyncadd.s32 $0xFFFFCE00  }
0x43: {  	[spmem:s12] =	stream.linear.scatter [tilespmem:s19], [sflag:$0x3], $0xC80, $0x38;
	[tilespmem:$0x1EDC0] =	vst v63  }
0x44: {  	_ =	swait.ge [sflag:s14], $0xC80  }
0x45: {  	[sflag:s14] =	ssyncset.done $0x0  }
0x46: {  	[sflag:s14] =	ssyncadd.s32 $0xFFFFF380  }
0x47: {  	[tilespmem:s19], [sflag:$0x2] =	stream.indirect.gather [hbm4b:s1+s17], $0x80, s20, s17, $0xb8;
	[tilespmem:$0x1EDC0] =	vst v63  }
0x48: {  	[bflag:$0x0] =	sbarrier.arrive $0xFFFF  }
0x49: {  	_ =	swait.ge [sflag:s21], $0x3200  }
0x4a: {  	[sflag:s21] =	ssyncset.done $0x0  }
0x4b: {  	s28 =	simm.s32 $0x28A0;
	[sflag:s21] =	ssyncadd.s32 $0xFFFFCE00  }
0x4c: {  	[spmem:s3] =	stream.indirect.scatter.add.f32 [tilespmem:s18], [sflag:$0x3], $0x80, s28, s17, $0xb8;
	[tilespmem:$0x1EDC0] =	vst v63  }
0x4d: {  	_ =	swait.ge [sflag:s14], $0x3200  }
0x4e: {  	[sflag:s14] =	ssyncset.done $0x0  }
0x4f: {  	s28 =	simm.s32 $0xD0;
	[sflag:s14] =	ssyncadd.s32 $0xFFFFCE00  }
0x50: {  	[tilespmem:s18], [sflag:$0x1] =	stream.indirect.gather [hbm4b:s1+s17], $0x80, s28, s17, $0xb8;
	[tilespmem:$0x1EDC0] =	vst v63  }
0x51: {  	_ =	swait.ge [sflag:s22], $0x3200  }
0x52: {  	[sflag:s22] =	ssyncset.done $0x0  }
0x53: {  	s28 =	simm.s32 $0x2908;
	[sflag:s22] =	ssyncadd.s32 $0xFFFFCE00  }
0x54: {  	[spmem:s3] =	stream.indirect.scatter.add.f32 [tilespmem:s19], [sflag:$0x3], $0x80, s28, s17, $0xb8;
	[tilespmem:$0x1EDC0] =	vst v63  }
0x55: {  	_ =	swait.ge [sflag:s14], $0x3200  }
0x56: {  	[sflag:s14] =	ssyncset.done $0x0  }
0x57: {  	s29 =	simm.s32 $0x138;
	s28 =	simm.s32 $0x340;
	[sflag:s14] =	ssyncadd.s32 $0xFFFFCE00  }
.LBB2_4:
0x58: {  	[tilespmem:s19], [sflag:$0x2] =	stream.indirect.gather [hbm4b:s1+s17], $0x80, s29, s17, $0xb8;
	[tilespmem:$0x1EDC0] =	vst v63  }
0x59: {  	s29 =	smov.u32 s28  }
0x5a: {  	p0 =	sne.s32 s28, $0x9C00;
	s28 =	sadd.s32 $0x340, s28;
	_ =	swait.ge [sflag:s21], $0x3200  }
0x5b: {  	s29 =	sshra.s32 s29, $0x2;
	[sflag:s21] =	ssyncset.done $0x0  }
0x5c: {  	s30 =	sadd.s32 $0x28A0, s29;
	[sflag:s21] =	ssyncadd.s32 $0xFFFFCE00  }
0x5d: {  	[spmem:s3] =	stream.indirect.scatter.add.f32 [tilespmem:s18], [sflag:$0x3], $0x80, s30, s17, $0xb8;
	[tilespmem:$0x1EDC0] =	vst v63  }
0x5e: {  	_ =	swait.ge [sflag:s14], $0x3200  }
0x5f: {  	[sflag:s14] =	ssyncset.done $0x0  }
0x60: {  	s30 =	sadd.s32 $0xD0, s29;
	[sflag:s14] =	ssyncadd.s32 $0xFFFFCE00  }
0x61: {  	[tilespmem:s18], [sflag:$0x1] =	stream.indirect.gather [hbm4b:s1+s17], $0x80, s30, s17, $0xb8;
	[tilespmem:$0x1EDC0] =	vst v63  }
0x62: {  	_ =	swait.ge [sflag:s22], $0x3200  }
0x63: {  	[sflag:s22] =	ssyncset.done $0x0  }
.Ltmp1:
0x64: {  	s30 =	sadd.s32 $0x2908, s29;
	[sflag:s22] =	ssyncadd.s32 $0xFFFFCE00;
	(pc) =	sbr.rel @p0 .LBB2_4-.Ltmp1, $4  }
0x65: {  	[spmem:s3] =	stream.indirect.scatter.add.f32 [tilespmem:s19], [sflag:$0x3], $0x80, s30, s17, $0xb8;
	[tilespmem:$0x1EDC0] =	vst v63  }
0x66: {  	_ =	swait.ge [sflag:s14], $0x3200  }
0x67: {  	[sflag:s14] =	ssyncset.done $0x0  }
0x68: {  	s29 =	sadd.s32 $0x138, s29;
	[sflag:s14] =	ssyncadd.s32 $0xFFFFCE00  }
0x69: {  	[tilespmem:s19], [sflag:$0x2] =	stream.indirect.gather [hbm4b:s1+s17], $0x80, s29, s17, $0xb8;
	[tilespmem:$0x1EDC0] =	vst v63  }
0x6a: {  	_ =	swait.ge [sflag:s21], $0x3200  }
0x6b: {  	[sflag:s21] =	ssyncset.done $0x0  }
0x6c: {  	[sflag:s21] =	ssyncadd.s32 $0xFFFFCE00  }
0x6d: {  	[spmem:s3] =	stream.indirect.scatter.add.f32 [tilespmem:s18], [sflag:$0x3], $0x80, s23, s17, $0xb8;
	[tilespmem:$0x1EDC0] =	vst v63  }
0x6e: {  	_ =	swait.ge [sflag:s14], $0x3200  }
0x6f: {  	[sflag:s14] =	ssyncset.done $0x0  }
0x70: {  	[sflag:s14] =	ssyncadd.s32 $0xFFFFCE00  }
0x71: {  	_ =	swait.ge [sflag:s22], $0x3200  }
0x72: {  	[sflag:s22] =	ssyncset.done $0x0  }
0x73: {  	[sflag:s22] =	ssyncadd.s32 $0xFFFFCE00  }
0x74: {  	[spmem:s3] =	stream.indirect.scatter.add.f32 [tilespmem:s19], [sflag:$0x3], $0x80, s25, s17, $0xb8;
	[tilespmem:$0x1EDC0] =	vst v63  }
0x75: {  	_ =	swait.ge [sflag:s14], $0x3200  }
0x76: {  	s28 =	sshll.u32 s0, $0x6;
	s26 =	sadd.s32 $0x1, s26;
	[sflag:s14] =	ssyncset.done $0x0  }
0x77: {  	s31 =	sshrl.u32 s6, $0x3;
	p0 =	sne.s32 s26, s13;
	[sflag:s14] =	ssyncadd.s32 $0xFFFFCE00  }
.Ltmp2:
0x78: {  	s28 =	sor.u32 $0x1C03, s28;
	[bflag:$0x0] =	sbarrier.arrive $0xFFFF;
	(pc) =	sbr.rel @p0 .LBB2_1-.Ltmp2, $4  }
0x79: {  	[hbm:s24], [sflag:s28] =	dma.local [spmem:s31], $0x2710  }
0x7a: {  	_ =	swait.ge [sflag:s14], $0x2710  }
0x7b: {  	[sflag:s14] =	ssyncset.done $0x0  }
0x7c: {  	[sflag:s14] =	ssyncadd.s32 $0xFFFFD8F0  }
0x7d: {  	_ =	sfence.sel $0x180000  }
0x7e: {  	[bflag:$0x0] =	sbarrier.arrive $0xFFFF  }
0x7f: {  	p0 =	sne.s32 s0, $0x0;
	_ =	strace $0x9000004A  }
0x80: {  	s0 =	sadd.s32 @!p0 $0x100000, s2;
	[bflag:$0x2] =	sbarrier.arrive $0xFFFF  }
0x81: {  	[sflag:s0] =	ssyncadd.tile.s32 @!p0 $0x1;
	_ =	shalt  }
.Lfunc_end2:
_tile_overlayer_lowered:
.L_overlay_start_2:
0x82: {  	(tag) =	ssettag $0x2  }
0x83: {  	s0 =	rddreg [dreg:$0x0];
	s2 =	stileid.u32  }
0x84: {  	s1 =	rddreg [dreg:$0x1];
	p0 =	sne.s32 s2, $0x0  }
0x85: {  	s3 =	rddreg [dreg:$0x2];
	[bflag:$0x3] =	sbarrier.arrive $0xFFFF;
	s2 =	simm.s32 @!p0 $0x1C03  }
0x86: {  	[timem:s3], [sflag:s2] =	dma.local @!p0 [hbm:s0], s1  }
0x87: {  	s0 =	simm.s32 @!p0 $0x3  }
0x88: {  	_ =	swait.ge @!p0 [sflag:s0], s1  }
0x89: {  	s1 =	ssub.s32 @!p0 $0x0, s1;
	[sflag:s0] =	ssyncset.done @!p0 $0x0  }
0x8a: {  	[sflag:s0] =	ssyncadd.s32 @!p0 s1  }
0x8b: {  	[bflag:$0x3] =	sbarrier.arrive $0xFFFF  }
0x8c: {  	_ =	shalt  }

</sc_bundles>
